<compile_context>
chip_gen: v7x
topology: tpu7x:2x2x1
jax: 0.10.2.dev20260603
libtpu: 0.0.44.dev20260713+nightly
codegen_flags: <defaults>
</compile_context>

<pallas_src>
import functools

import jax
import jax.numpy as jnp
from jax import lax
from jax.experimental import pallas as pl
from jax.experimental.pallas import tpu as pltpu
from jax.experimental.pallas import tpu_sc as plsc

N_NODES = 10000
N_EDGES = 320000
D = 128

NC = 2
NS = 16
NW = NC * NS

IROW = 128
HALF = 64
NIR = 80
GSZ = 16
NGROUP = NIR // GSZ
E_PAD = NW * NIR * IROW
N_PAD = 10240
RPT = N_PAD // NS


def _sc_aggregate(x, eip):
    mesh = plsc.VectorSubcoreMesh(core_axis_name="c", subcore_axis_name="s")

    @functools.partial(
        pl.kernel,
        out_type=jax.ShapeDtypeStruct((NC, N_PAD, D), jnp.float32),
        mesh=mesh,
        scratch_types=[
            pltpu.VMEM((GSZ, IROW), jnp.int32),
            pltpu.VMEM((GSZ, IROW), jnp.int32),
            pltpu.VMEM((IROW, D), jnp.float32),
            pltpu.VMEM((IROW, D), jnp.float32),
            pltpu.VMEM_SHARED((N_PAD, D), jnp.float32),
            pltpu.SemaphoreType.DMA,
            pltpu.SemaphoreType.DMA,
            pltpu.SemaphoreType.DMA,
            pltpu.SemaphoreType.DMA,
        ],
    )
    def k(x_hbm, ei_hbm, out_hbm, src_v, dst_v, rows_a, rows_b, acc_sh,
          sa0, sa1, sb0, sb1):
        cid = lax.axis_index("c")
        sid = lax.axis_index("s")
        wid = cid * NS + sid
        row0 = pl.multiple_of(sid * RPT, 8)

        @pl.loop(0, IROW)
        def _(r):
            @pl.loop(0, D, step=16)
            def _(c):
                rows_a[r, pl.ds(c, 16)] = jnp.zeros((16,), jnp.float32)

        @pl.loop(0, RPT, step=IROW)
        def _(z):
            pltpu.sync_copy(rows_a, acc_sh.at[pl.ds(row0 + z, IROW)])

        plsc.subcore_barrier()

        bufs = (rows_a, rows_b)
        sems = ((sa0, sa1), (sb0, sb1))

        def issue(r, b):
            for h in range(2):
                idx = src_v.at[r].at[pl.ds(h * HALF, HALF)]
                pltpu.async_copy(x_hbm.at[idx],
                                 bufs[b].at[pl.ds(h * HALF, HALF)], sems[b][h])

        def wait(r, b):
            for h in range(2):
                idx = src_v.at[r].at[pl.ds(h * HALF, HALF)]
                pltpu.make_async_copy(
                    x_hbm.at[idx],
                    bufs[b].at[pl.ds(h * HALF, HALF)], sems[b][h]).wait()

        def scat(r, b):
            pltpu.sync_copy(bufs[b], acc_sh.at[dst_v.at[r]], add=True)

        @pl.loop(0, NGROUP)
        def _(g):
            g0 = pl.multiple_of(g * GSZ, 8)
            pltpu.sync_copy(ei_hbm.at[0].at[wid].at[pl.ds(g0, GSZ)], src_v)
            pltpu.sync_copy(ei_hbm.at[1].at[wid].at[pl.ds(g0, GSZ)], dst_v)

            issue(0, 0)
            issue(1, 1)

            @pl.loop(0, GSZ, step=2)
            def _(j):
                wait(j, 0)
                scat(j, 0)

                @pl.when(j + 2 < GSZ)
                def _():
                    issue(j + 2, 0)

                wait(j + 1, 1)
                scat(j + 1, 1)

                @pl.when(j + 3 < GSZ)
                def _():
                    issue(j + 3, 1)

        plsc.subcore_barrier()

        pltpu.sync_copy(
            acc_sh.at[pl.ds(row0, RPT)],
            out_hbm.at[cid].at[pl.ds(row0, RPT)],
        )

    return k(x, eip)


def _mlp(x, parts, W1, bias, W2):
    BR = 2000
    grid = (N_NODES // BR,)

    def body(x_ref, p_ref, w1_ref, b_ref, w2_ref, o_ref):
        h = x_ref[...] + p_ref[0] + p_ref[1]
        t = jnp.dot(h, w1_ref[...],
                    preferred_element_type=jnp.float32) + b_ref[0]
        t = jnp.maximum(t, 0.0)
        o_ref[...] = jnp.dot(t, w2_ref[...],
                             preferred_element_type=jnp.float32) + b_ref[1]

    return pl.pallas_call(
        body,
        grid=grid,
        in_specs=[
            pl.BlockSpec((BR, D), lambda i: (i, 0)),
            pl.BlockSpec((NC, BR, D), lambda i: (0, i, 0)),
            pl.BlockSpec((D, D), lambda i: (0, 0)),
            pl.BlockSpec((2, D), lambda i: (0, 0)),
            pl.BlockSpec((D, D), lambda i: (0, 0)),
        ],
        out_specs=pl.BlockSpec((BR, D), lambda i: (i, 0)),
        out_shape=jax.ShapeDtypeStruct((N_NODES, D), jnp.float32),
    )(x, parts, W1, bias, W2)


def kernel(x, edge_index, degrees, W1, b1, W2, b2):
    ei = edge_index.astype(jnp.int32)
    n_extra = E_PAD - N_EDGES
    pad_iota = jnp.arange(n_extra, dtype=jnp.int32)
    pad_src = pad_iota % N_NODES
    pad_dst = N_NODES + pad_iota % (N_PAD - N_NODES)
    eip = jnp.concatenate([ei, jnp.stack([pad_src, pad_dst])], axis=1)
    eip = eip.reshape(2, NW, NIR, IROW)
    parts = _sc_aggregate(x, eip)
    return _mlp(x, parts, W1, jnp.stack([b1, b2]), W2)

# --- scband reference (transcript-rebuilt; emitter-appended) ---
"""Pipeline reference for scband-mpnn-sparse-29420525977946 (READ-ONLY COPY).

The authoritative reference and input builder live on the scoring server;
editing this copy changes nothing except your own understanding.
"""

import jax, jax.numpy as jnp
import numpy as np

N_NODES = 10000
N_EDGES = 320000
D_IN = 128
D_H = 128
D_UP = 128
EPS = 0.0  # msg_kind='gin', train_eps=False -> eps is a constant buffer


def setup_inputs(seed: int = 0) -> dict:
    key = jax.random.key(seed)
    k_x, k_e, k_deg, k_w1, k_b1, k_w2, k_b2 = jax.random.split(key, 7)
    x = jax.random.normal(k_x, (N_NODES, D_IN), dtype=jnp.float32)
    edge_index = jax.random.randint(k_e, (2, N_EDGES), 0, N_NODES, dtype=jnp.int64)
    degrees = jax.random.uniform(k_deg, (N_NODES,), dtype=jnp.float32)
    # update_fn = mlp(d_in, d_up, d_h): Linear(d_in, d_h) -> relu -> Linear(d_h, d_up)
    W1 = jax.random.normal(k_w1, (D_IN, D_H), dtype=jnp.float32) * (1.0 / np.sqrt(D_IN))
    b1 = jnp.zeros((D_H,), dtype=jnp.float32)
    W2 = jax.random.normal(k_w2, (D_H, D_UP), dtype=jnp.float32) * (1.0 / np.sqrt(D_H))
    b2 = jnp.zeros((D_UP,), dtype=jnp.float32)
    return {"x": x, "edge_index": edge_index, "degrees": degrees,
            "W1": W1, "b1": b1, "W2": W2, "b2": b2}


def reference(x, edge_index, degrees, W1, b1, W2, b2):
    # degrees is accessed (and unsqueezed) in the torch forward but never used for 'gin'
    degrees = degrees[:, None] if degrees.ndim == 1 else degrees
    x = x[:, None] if x.ndim == 1 else x
    # propagate, flow='source_to_target': select=1, aggr over dim 0
    # message (gin): msg_j = x_j = x[edge_index[0]]
    # sparse sum over dim 0 with indices (edge_index[0], edge_index[1])
    # == scatter-add of x[edge_index[0]] into rows edge_index[1]
    msgs = x[edge_index[0], :]
    agg = jax.ops.segment_sum(msgs, edge_index[1], num_segments=N_NODES)
    self_msg = x
    h = (1.0 + EPS) * self_msg + agg
    # update_fn MLP
    out = jnp.maximum(h @ W1 + b1, 0.0) @ W2 + b2
    return out

if __name__ == "__main__":
    import jax
    _d = setup_inputs()
    print(jax.jit(kernel)(*tuple(_d.values())))

</pallas_src>

<mosaic_0001>
#map = affine_map<(d0, d1) -> (0, 0)>
#map1 = affine_map<(d0, d1) -> (0, 0, 0, 0)>
#map2 = affine_map<(d0, d1) -> (0, 0, 0)>
module attributes {stable_mosaic.version = 14 : i64} {
  func.func @k(%arg0: i32, %arg1: i32, %arg2: memref<10000x128xf32, #tpu.memory_space<hbm>>, %arg3: memref<2x32x80x128xi32, #tpu.memory_space<hbm>>, %arg4: memref<2x10240x128xf32, #tpu.memory_space<hbm>>, %arg5: memref<16x128xi32, #tpu.memory_space<vmem>>, %arg6: memref<16x128xi32, #tpu.memory_space<vmem>>, %arg7: memref<128x128xf32, #tpu.memory_space<vmem>>, %arg8: memref<128x128xf32, #tpu.memory_space<vmem>>, %arg9: memref<10240x128xf32, #tpu.memory_space<vmem_shared>>, %arg10: memref<!tpu.dma_semaphore, #tpu.memory_space<semaphore_mem>>, %arg11: memref<!tpu.dma_semaphore, #tpu.memory_space<semaphore_mem>>, %arg12: memref<!tpu.dma_semaphore, #tpu.memory_space<semaphore_mem>>, %arg13: memref<!tpu.dma_semaphore, #tpu.memory_space<semaphore_mem>>) attributes {dimension_semantics = [#tpu.dimension_semantics<core_parallel>, #tpu.dimension_semantics<subcore_parallel>], iteration_bounds = array<i64: 2, 16>, scalar_prefetch = 0 : i64, scratch_operands = 9 : i64, tpu.core_type = #tpu.core_type<sc_vector_subcore>, window_params = [{transform_indices = #map}, {transform_indices = #map1}, {transform_indices = #map2}]} {
    %mul3A = arith.constant 16 : i32
    %mul3A_0 = arith.muli %arg0, %mul3A : i32
    %add3A = arith.addi %mul3A_0, %arg1 : i32
    %mul3A_1 = arith.constant 640 : i32
    %mul3A_2 = arith.muli %arg1, %mul3A_1 : i32
    %multiple_of3A = tpu.assume_multiple %mul3A_2, 8 : i32
    %scan3A = arith.constant 0 : i32
    %scan3A_3 = arith.constant 128 : i32
    %scan3A_4 = arith.addi %scan3A, %scan3A_3 : i32
    %scan3A_5 = arith.constant 1 : i32
    scf.for %scan3A_18 = %scan3A to %scan3A_4 step %scan3A_5  : i32 {
      %mul3A_19 = arith.constant 1 : i32
      %mul3A_20 = arith.muli %scan3A_18, %mul3A_19 : i32
      %add3A_21 = arith.constant 0 : i32
      %add3A_22 = arith.addi %add3A_21, %mul3A_20 : i32
      %scan3A_23 = arith.constant 0 : i32
      %scan3A_24 = arith.constant 8 : i32
      %scan3A_25 = arith.addi %scan3A_23, %scan3A_24 : i32
      %scan3A_26 = arith.constant 1 : i32
      scf.for %scan3A_28 = %scan3A_23 to %scan3A_25 step %scan3A_26  : i32 {
        %mul3A_29 = arith.constant 16 : i32
        %mul3A_30 = arith.muli %scan3A_28, %mul3A_29 : i32
        %add3A_31 = arith.constant 0 : i32
        %add3A_32 = arith.addi %add3A_31, %mul3A_30 : i32
        %broadcast_in_dim3A = arith.constant 0.000000e+00 : f32
        %broadcast_in_dim3A_33 = vector.broadcast %broadcast_in_dim3A : f32 to vector<16xf32>
        %swap3A = arith.index_cast %add3A_22 : i32 to index
        %swap3A_34 = arith.index_cast %add3A_32 : i32 to index
        %swap3A_35 = tpu.vector_load %arg7[%swap3A, %swap3A_34] {strides = array<i32>} : memref<128x128xf32, #tpu.memory_space<vmem>>, vector<1x16xf32>,
        %swap3A_36 = vector.shape_cast %swap3A_35 : vector<1x16xf32> to vector<16xf32>
        %swap3A_37 = vector.shape_cast %broadcast_in_dim3A_33 : vector<16xf32> to vector<1x16xf32>
        tpu.vector_store %arg7[%swap3A, %swap3A_34], %swap3A_37 {strides = array<i32>} : memref<128x128xf32, #tpu.memory_space<vmem>>, vector<1x16xf32>,
      }
      %scan3A_27 = arith.constant 8 : i32
    }
    %scan3A_6 = arith.constant 128 : i32
    %scan3A_7 = arith.constant 0 : i32
    %scan3A_8 = arith.constant 5 : i32
    %scan3A_9 = arith.addi %scan3A_7, %scan3A_8 : i32
    %scan3A_10 = arith.constant 1 : i32
    scf.for %scan3A_18 = %scan3A_7 to %scan3A_9 step %scan3A_10  : i32 {
      %mul3A_19 = arith.constant 128 : i32
      %mul3A_20 = arith.muli %scan3A_18, %mul3A_19 : i32
      %add3A_21 = arith.constant 0 : i32
      %add3A_22 = arith.addi %add3A_21, %mul3A_20 : i32
      %add3A_23 = arith.addi %multiple_of3A, %add3A_22 : i32
      "tpu.region"() ({
        %run_scoped3A = tpu.sem_alloc : memref<!tpu.dma_semaphore, #tpu.memory_space<semaphore_mem>>
        %dma_start3A = arith.constant 0 : i32
        %dma_start3A_24 = tpu.memref_slice %arg9[%add3A_23, %dma_start3A] : memref<10240x128xf32, #tpu.memory_space<vmem_shared>> -> memref<128x128xf32, #tpu.memory_space<vmem_shared>>
        %dma_start3A_25 = arith.constant 0 : i32
        %dma_start3A_26 = tpu.memref_slice %arg9[%add3A_23, %dma_start3A_25] : memref<10240x128xf32, #tpu.memory_space<vmem_shared>> -> memref<128x128xf32, #tpu.memory_space<vmem_shared>>
        tpu.enqueue_dma source(%arg7 : memref<128x128xf32, #tpu.memory_space<vmem>>) target(%dma_start3A_26 : memref<128x128xf32, #tpu.memory_space<vmem_shared>>) target_semaphore(%run_scoped3A : memref<!tpu.dma_semaphore, #tpu.memory_space<semaphore_mem>>)
        %dma_wait3A = arith.constant 0 : i32
        %dma_wait3A_27 = tpu.memref_slice %arg9[%add3A_23, %dma_wait3A] : memref<10240x128xf32, #tpu.memory_space<vmem_shared>> -> memref<128x128xf32, #tpu.memory_space<vmem_shared>>
        %dma_wait3A_28 = arith.constant 0 : i32
        %dma_wait3A_29 = tpu.memref_slice %arg9[%add3A_23, %dma_wait3A_28] : memref<10240x128xf32, #tpu.memory_space<vmem_shared>> -> memref<128x128xf32, #tpu.memory_space<vmem_shared>>
        tpu.wait_dma2 semaphore(%run_scoped3A : memref<!tpu.dma_semaphore, #tpu.memory_space<semaphore_mem>>) src(%arg7 : memref<128x128xf32, #tpu.memory_space<vmem>>) dst(%dma_wait3A_29 : memref<128x128xf32, #tpu.memory_space<vmem_shared>>)
        tpu.yield
      }) : () -> ()
    }
    %scan3A_11 = arith.constant 5 : i32
    %barrier3A = arith.constant 0 : index
    tpu.barrier barrier_id(%barrier3A)
    %scan3A_12 = arith.constant 0 : i32
    %scan3A_13 = arith.constant 5 : i32
    %scan3A_14 = arith.addi %scan3A_12, %scan3A_13 : i32
    %scan3A_15 = arith.constant 1 : i32
    scf.for %scan3A_18 = %scan3A_12 to %scan3A_14 step %scan3A_15  : i32 {
      %mul3A_19 = arith.constant 1 : i32
      %mul3A_20 = arith.muli %scan3A_18, %mul3A_19 : i32
      %add3A_21 = arith.constant 0 : i32
      %add3A_22 = arith.addi %add3A_21, %mul3A_20 : i32
      %mul3A_23 = arith.constant 16 : i32
      %mul3A_24 = arith.muli %add3A_22, %mul3A_23 : i32
      %multiple_of3A_25 = tpu.assume_multiple %mul3A_24, 8 : i32
      %run_scoped3A = arith.constant 0 : i32
      "tpu.region"() ({
        %run_scoped3A_79 = tpu.sem_alloc : memref<!tpu.dma_semaphore, #tpu.memory_space<semaphore_mem>>
        %dma_start3A_80 = arith.constant 0 : i32
        %dma_start3A_81 = arith.constant 0 : i32
        %dma_start3A_82 = arith.constant 0 : i32
        %dma_start3A_83 = tpu.memref_slice %arg3[%run_scoped3A, %dma_start3A_80, %dma_start3A_81, %dma_start3A_82] : memref<2x32x80x128xi32, #tpu.memory_space<hbm>> -> memref<1x32x80x128xi32, #tpu.memory_space<hbm>>
        %dma_start3A_84 = tpu.memref_squeeze %dma_start3A_83 : memref<1x32x80x128xi32, #tpu.memory_space<hbm>> -> memref<32x80x128xi32, #tpu.memory_space<hbm>>
        %dma_start3A_85 = arith.constant 0 : i32
        %dma_start3A_86 = arith.constant 0 : i32
        %dma_start3A_87 = tpu.memref_slice %dma_start3A_84[%add3A, %dma_start3A_85, %dma_start3A_86] : memref<32x80x128xi32, #tpu.memory_space<hbm>> -> memref<1x80x128xi32, #tpu.memory_space<hbm>>
        %dma_start3A_88 = tpu.memref_squeeze %dma_start3A_87 : memref<1x80x128xi32, #tpu.memory_space<hbm>> -> memref<80x128xi32, #tpu.memory_space<hbm>>
        %dma_start3A_89 = arith.constant 0 : i32
        %dma_start3A_90 = tpu.memref_slice %dma_start3A_88[%multiple_of3A_25, %dma_start3A_89] : memref<80x128xi32, #tpu.memory_space<hbm>> -> memref<16x128xi32, #tpu.memory_space<hbm>>
        %dma_start3A_91 = arith.constant 0 : i32
        %dma_start3A_92 = arith.constant 0 : i32
        %dma_start3A_93 = arith.constant 0 : i32
        %dma_start3A_94 = tpu.memref_slice %arg3[%run_scoped3A, %dma_start3A_91, %dma_start3A_92, %dma_start3A_93] : memref<2x32x80x128xi32, #tpu.memory_space<hbm>> -> memref<1x32x80x128xi32, #tpu.memory_space<hbm>>
        %dma_start3A_95 = tpu.memref_squeeze %dma_start3A_94 : memref<1x32x80x128xi32, #tpu.memory_space<hbm>> -> memref<32x80x128xi32, #tpu.memory_space<hbm>>
        %dma_start3A_96 = arith.constant 0 : i32
        %dma_start3A_97 = arith.constant 0 : i32
        %dma_start3A_98 = tpu.memref_slice %dma_start3A_95[%add3A, %dma_start3A_96, %dma_start3A_97] : memref<32x80x128xi32, #tpu.memory_space<hbm>> -> memref<1x80x128xi32, #tpu.memory_space<hbm>>
        %dma_start3A_99 = tpu.memref_squeeze %dma_start3A_98 : memref<1x80x128xi32, #tpu.memory_space<hbm>> -> memref<80x128xi32, #tpu.memory_space<hbm>>
        %dma_start3A_100 = arith.constant 0 : i32
        %dma_start3A_101 = tpu.memref_slice %dma_start3A_99[%multiple_of3A_25, %dma_start3A_100] : memref<80x128xi32, #tpu.memory_space<hbm>> -> memref<16x128xi32, #tpu.memory_space<hbm>>
        tpu.enqueue_dma source(%dma_start3A_101 : memref<16x128xi32, #tpu.memory_space<hbm>>) target(%arg5 : memref<16x128xi32, #tpu.memory_space<vmem>>) target_semaphore(%run_scoped3A_79 : memref<!tpu.dma_semaphore, #tpu.memory_space<semaphore_mem>>)
        %dma_wait3A = arith.constant 0 : i32
        %dma_wait3A_102 = arith.constant 0 : i32
        %dma_wait3A_103 = arith.constant 0 : i32
        %dma_wait3A_104 = tpu.memref_slice %arg3[%run_scoped3A, %dma_wait3A, %dma_wait3A_102, %dma_wait3A_103] : memref<2x32x80x128xi32, #tpu.memory_space<hbm>> -> memref<1x32x80x128xi32, #tpu.memory_space<hbm>>
        %dma_wait3A_105 = tpu.memref_squeeze %dma_wait3A_104 : memref<1x32x80x128xi32, #tpu.memory_space<hbm>> -> memref<32x80x128xi32, #tpu.memory_space<hbm>>
        %dma_wait3A_106 = arith.constant 0 : i32
        %dma_wait3A_107 = arith.constant 0 : i32
        %dma_wait3A_108 = tpu.memref_slice %dma_wait3A_105[%add3A, %dma_wait3A_106, %dma_wait3A_107] : memref<32x80x128xi32, #tpu.memory_space<hbm>> -> memref<1x80x128xi32, #tpu.memory_space<hbm>>
        %dma_wait3A_109 = tpu.memref_squeeze %dma_wait3A_108 : memref<1x80x128xi32, #tpu.memory_space<hbm>> -> memref<80x128xi32, #tpu.memory_space<hbm>>
        %dma_wait3A_110 = arith.constant 0 : i32
        %dma_wait3A_111 = tpu.memref_slice %dma_wait3A_109[%multiple_of3A_25, %dma_wait3A_110] : memref<80x128xi32, #tpu.memory_space<hbm>> -> memref<16x128xi32, #tpu.memory_space<hbm>>
        %dma_wait3A_112 = arith.constant 0 : i32
        %dma_wait3A_113 = arith.constant 0 : i32
        %dma_wait3A_114 = arith.constant 0 : i32
        %dma_wait3A_115 = tpu.memref_slice %arg3[%run_scoped3A, %dma_wait3A_112, %dma_wait3A_113, %dma_wait3A_114] : memref<2x32x80x128xi32, #tpu.memory_space<hbm>> -> memref<1x32x80x128xi32, #tpu.memory_space<hbm>>
        %dma_wait3A_116 = tpu.memref_squeeze %dma_wait3A_115 : memref<1x32x80x128xi32, #tpu.memory_space<hbm>> -> memref<32x80x128xi32, #tpu.memory_space<hbm>>
        %dma_wait3A_117 = arith.constant 0 : i32
        %dma_wait3A_118 = arith.constant 0 : i32
        %dma_wait3A_119 = tpu.memref_slice %dma_wait3A_116[%add3A, %dma_wait3A_117, %dma_wait3A_118] : memref<32x80x128xi32, #tpu.memory_space<hbm>> -> memref<1x80x128xi32, #tpu.memory_space<hbm>>
        %dma_wait3A_120 = tpu.memref_squeeze %dma_wait3A_119 : memref<1x80x128xi32, #tpu.memory_space<hbm>> -> memref<80x128xi32, #tpu.memory_space<hbm>>
        %dma_wait3A_121 = arith.constant 0 : i32
        %dma_wait3A_122 = tpu.memref_slice %dma_wait3A_120[%multiple_of3A_25, %dma_wait3A_121] : memref<80x128xi32, #tpu.memory_space<hbm>> -> memref<16x128xi32, #tpu.memory_space<hbm>>
        tpu.wait_dma2 semaphore(%run_scoped3A_79 : memref<!tpu.dma_semaphore, #tpu.memory_space<semaphore_mem>>) src(%dma_wait3A_122 : memref<16x128xi32, #tpu.memory_space<hbm>>) dst(%arg5 : memref<16x128xi32, #tpu.memory_space<vmem>>)
        tpu.yield
      }) : () -> ()
      %run_scoped3A_26 = arith.constant 1 : i32
      "tpu.region"() ({
        %run_scoped3A_79 = tpu.sem_alloc : memref<!tpu.dma_semaphore, #tpu.memory_space<semaphore_mem>>
        %dma_start3A_80 = arith.constant 0 : i32
        %dma_start3A_81 = arith.constant 0 : i32
        %dma_start3A_82 = arith.constant 0 : i32
        %dma_start3A_83 = tpu.memref_slice %arg3[%run_scoped3A_26, %dma_start3A_80, %dma_start3A_81, %dma_start3A_82] : memref<2x32x80x128xi32, #tpu.memory_space<hbm>> -> memref<1x32x80x128xi32, #tpu.memory_space<hbm>>
        %dma_start3A_84 = tpu.memref_squeeze %dma_start3A_83 : memref<1x32x80x128xi32, #tpu.memory_space<hbm>> -> memref<32x80x128xi32, #tpu.memory_space<hbm>>
        %dma_start3A_85 = arith.constant 0 : i32
        %dma_start3A_86 = arith.constant 0 : i32
        %dma_start3A_87 = tpu.memref_slice %dma_start3A_84[%add3A, %dma_start3A_85, %dma_start3A_86] : memref<32x80x128xi32, #tpu.memory_space<hbm>> -> memref<1x80x128xi32, #tpu.memory_space<hbm>>
        %dma_start3A_88 = tpu.memref_squeeze %dma_start3A_87 : memref<1x80x128xi32, #tpu.memory_space<hbm>> -> memref<80x128xi32, #tpu.memory_space<hbm>>
        %dma_start3A_89 = arith.constant 0 : i32
        %dma_start3A_90 = tpu.memref_slice %dma_start3A_88[%multiple_of3A_25, %dma_start3A_89] : memref<80x128xi32, #tpu.memory_space<hbm>> -> memref<16x128xi32, #tpu.memory_space<hbm>>
        %dma_start3A_91 = arith.constant 0 : i32
        %dma_start3A_92 = arith.constant 0 : i32
        %dma_start3A_93 = arith.constant 0 : i32
        %dma_start3A_94 = tpu.memref_slice %arg3[%run_scoped3A_26, %dma_start3A_91, %dma_start3A_92, %dma_start3A_93] : memref<2x32x80x128xi32, #tpu.memory_space<hbm>> -> memref<1x32x80x128xi32, #tpu.memory_space<hbm>>
        %dma_start3A_95 = tpu.memref_squeeze %dma_start3A_94 : memref<1x32x80x128xi32, #tpu.memory_space<hbm>> -> memref<32x80x128xi32, #tpu.memory_space<hbm>>
        %dma_start3A_96 = arith.constant 0 : i32
        %dma_start3A_97 = arith.constant 0 : i32
        %dma_start3A_98 = tpu.memref_slice %dma_start3A_95[%add3A, %dma_start3A_96, %dma_start3A_97] : memref<32x80x128xi32, #tpu.memory_space<hbm>> -> memref<1x80x128xi32, #tpu.memory_space<hbm>>
        %dma_start3A_99 = tpu.memref_squeeze %dma_start3A_98 : memref<1x80x128xi32, #tpu.memory_space<hbm>> -> memref<80x128xi32, #tpu.memory_space<hbm>>
        %dma_start3A_100 = arith.constant 0 : i32
        %dma_start3A_101 = tpu.memref_slice %dma_start3A_99[%multiple_of3A_25, %dma_start3A_100] : memref<80x128xi32, #tpu.memory_space<hbm>> -> memref<16x128xi32, #tpu.memory_space<hbm>>
        tpu.enqueue_dma source(%dma_start3A_101 : memref<16x128xi32, #tpu.memory_space<hbm>>) target(%arg6 : memref<16x128xi32, #tpu.memory_space<vmem>>) target_semaphore(%run_scoped3A_79 : memref<!tpu.dma_semaphore, #tpu.memory_space<semaphore_mem>>)
        %dma_wait3A = arith.constant 0 : i32
        %dma_wait3A_102 = arith.constant 0 : i32
        %dma_wait3A_103 = arith.constant 0 : i32
        %dma_wait3A_104 = tpu.memref_slice %arg3[%run_scoped3A_26, %dma_wait3A, %dma_wait3A_102, %dma_wait3A_103] : memref<2x32x80x128xi32, #tpu.memory_space<hbm>> -> memref<1x32x80x128xi32, #tpu.memory_space<hbm>>
        %dma_wait3A_105 = tpu.memref_squeeze %dma_wait3A_104 : memref<1x32x80x128xi32, #tpu.memory_space<hbm>> -> memref<32x80x128xi32, #tpu.memory_space<hbm>>
        %dma_wait3A_106 = arith.constant 0 : i32
        %dma_wait3A_107 = arith.constant 0 : i32
        %dma_wait3A_108 = tpu.memref_slice %dma_wait3A_105[%add3A, %dma_wait3A_106, %dma_wait3A_107] : memref<32x80x128xi32, #tpu.memory_space<hbm>> -> memref<1x80x128xi32, #tpu.memory_space<hbm>>
        %dma_wait3A_109 = tpu.memref_squeeze %dma_wait3A_108 : memref<1x80x128xi32, #tpu.memory_space<hbm>> -> memref<80x128xi32, #tpu.memory_space<hbm>>
        %dma_wait3A_110 = arith.constant 0 : i32
        %dma_wait3A_111 = tpu.memref_slice %dma_wait3A_109[%multiple_of3A_25, %dma_wait3A_110] : memref<80x128xi32, #tpu.memory_space<hbm>> -> memref<16x128xi32, #tpu.memory_space<hbm>>
        %dma_wait3A_112 = arith.constant 0 : i32
        %dma_wait3A_113 = arith.constant 0 : i32
        %dma_wait3A_114 = arith.constant 0 : i32
        %dma_wait3A_115 = tpu.memref_slice %arg3[%run_scoped3A_26, %dma_wait3A_112, %dma_wait3A_113, %dma_wait3A_114] : memref<2x32x80x128xi32, #tpu.memory_space<hbm>> -> memref<1x32x80x128xi32, #tpu.memory_space<hbm>>
        %dma_wait3A_116 = tpu.memref_squeeze %dma_wait3A_115 : memref<1x32x80x128xi32, #tpu.memory_space<hbm>> -> memref<32x80x128xi32, #tpu.memory_space<hbm>>
        %dma_wait3A_117 = arith.constant 0 : i32
        %dma_wait3A_118 = arith.constant 0 : i32
        %dma_wait3A_119 = tpu.memref_slice %dma_wait3A_116[%add3A, %dma_wait3A_117, %dma_wait3A_118] : memref<32x80x128xi32, #tpu.memory_space<hbm>> -> memref<1x80x128xi32, #tpu.memory_space<hbm>>
        %dma_wait3A_120 = tpu.memref_squeeze %dma_wait3A_119 : memref<1x80x128xi32, #tpu.memory_space<hbm>> -> memref<80x128xi32, #tpu.memory_space<hbm>>
        %dma_wait3A_121 = arith.constant 0 : i32
        %dma_wait3A_122 = tpu.memref_slice %dma_wait3A_120[%multiple_of3A_25, %dma_wait3A_121] : memref<80x128xi32, #tpu.memory_space<hbm>> -> memref<16x128xi32, #tpu.memory_space<hbm>>
        tpu.wait_dma2 semaphore(%run_scoped3A_79 : memref<!tpu.dma_semaphore, #tpu.memory_space<semaphore_mem>>) src(%dma_wait3A_122 : memref<16x128xi32, #tpu.memory_space<hbm>>) dst(%arg6 : memref<16x128xi32, #tpu.memory_space<vmem>>)
        tpu.yield
      }) : () -> ()
      %dma_start3A = arith.constant 0 : i32
      %dma_start3A_27 = arith.constant 0 : i32
      %dma_start3A_28 = arith.constant 0 : i32
      %dma_start3A_29 = tpu.memref_slice %arg7[%dma_start3A_27, %dma_start3A_28] : memref<128x128xf32, #tpu.memory_space<vmem>> -> memref<64x128xf32, #tpu.memory_space<vmem>>
      %dma_start3A_30 = arith.constant 0 : i32
      %dma_start3A_31 = tpu.memref_slice %arg5[%dma_start3A, %dma_start3A_30] : memref<16x128xi32, #tpu.memory_space<vmem>> -> memref<1x128xi32, #tpu.memory_space<vmem>>
      %dma_start3A_32 = tpu.memref_squeeze %dma_start3A_31 : memref<1x128xi32, #tpu.memory_space<vmem>> -> memref<128xi32, #tpu.memory_space<vmem>>
      %dma_start3A_33 = arith.constant 0 : i32
      %dma_start3A_34 = tpu.memref_slice %dma_start3A_32[%dma_start3A_33] : memref<128xi32, #tpu.memory_space<vmem>> -> memref<64xi32, #tpu.memory_space<vmem>>
      %dma_start3A_35 = arith.constant 0 : i32
      %dma_start3A_36 = arith.constant 0 : i32
      %dma_start3A_37 = tpu.memref_slice %arg2[%dma_start3A_35, %dma_start3A_36] : memref<10000x128xf32, #tpu.memory_space<hbm>> -> memref<10000x128xf32, #tpu.memory_space<hbm>>
      tpu.enqueue_indirect_dma source(%dma_start3A_37 : memref<10000x128xf32, #tpu.memory_space<hbm>>) target(%dma_start3A_29 : memref<64x128xf32, #tpu.memory_space<vmem>>) offsets(%dma_start3A_34 : memref<64xi32, #tpu.memory_space<vmem>>) semaphore(%arg10 : memref<!tpu.dma_semaphore, #tpu.memory_space<semaphore_mem>>)
      %dma_start3A_38 = arith.constant 0 : i32
      %dma_start3A_39 = arith.constant 64 : i32
      %dma_start3A_40 = arith.constant 0 : i32
      %dma_start3A_41 = tpu.memref_slice %arg7[%dma_start3A_39, %dma_start3A_40] : memref<128x128xf32, #tpu.memory_space<vmem>> -> memref<64x128xf32, #tpu.memory_space<vmem>>
      %dma_start3A_42 = arith.constant 0 : i32
      %dma_start3A_43 = tpu.memref_slice %arg5[%dma_start3A_38, %dma_start3A_42] : memref<16x128xi32, #tpu.memory_space<vmem>> -> memref<1x128xi32, #tpu.memory_space<vmem>>
      %dma_start3A_44 = tpu.memref_squeeze %dma_start3A_43 : memref<1x128xi32, #tpu.memory_space<vmem>> -> memref<128xi32, #tpu.memory_space<vmem>>
      %dma_start3A_45 = arith.constant 64 : i32
      %dma_start3A_46 = tpu.memref_slice %dma_start3A_44[%dma_start3A_45] : memref<128xi32, #tpu.memory_space<vmem>> -> memref<64xi32, #tpu.memory_space<vmem>>
      %dma_start3A_47 = arith.constant 0 : i32
      %dma_start3A_48 = arith.constant 0 : i32
      %dma_start3A_49 = tpu.memref_slice %arg2[%dma_start3A_47, %dma_start3A_48] : memref<10000x128xf32, #tpu.memory_space<hbm>> -> memref<10000x128xf32, #tpu.memory_space<hbm>>
      tpu.enqueue_indirect_dma source(%dma_start3A_49 : memref<10000x128xf32, #tpu.memory_space<hbm>>) target(%dma_start3A_41 : memref<64x128xf32, #tpu.memory_space<vmem>>) offsets(%dma_start3A_46 : memref<64xi32, #tpu.memory_space<vmem>>) semaphore(%arg11 : memref<!tpu.dma_semaphore, #tpu.memory_space<semaphore_mem>>)
      %dma_start3A_50 = arith.constant 1 : i32
      %dma_start3A_51 = arith.constant 0 : i32
      %dma_start3A_52 = arith.constant 0 : i32
      %dma_start3A_53 = tpu.memref_slice %arg8[%dma_start3A_51, %dma_start3A_52] : memref<128x128xf32, #tpu.memory_space<vmem>> -> memref<64x128xf32, #tpu.memory_space<vmem>>
      %dma_start3A_54 = arith.constant 0 : i32
      %dma_start3A_55 = tpu.memref_slice %arg5[%dma_start3A_50, %dma_start3A_54] : memref<16x128xi32, #tpu.memory_space<vmem>> -> memref<1x128xi32, #tpu.memory_space<vmem>>
      %dma_start3A_56 = tpu.memref_squeeze %dma_start3A_55 : memref<1x128xi32, #tpu.memory_space<vmem>> -> memref<128xi32, #tpu.memory_space<vmem>>
      %dma_start3A_57 = arith.constant 0 : i32
      %dma_start3A_58 = tpu.memref_slice %dma_start3A_56[%dma_start3A_57] : memref<128xi32, #tpu.memory_space<vmem>> -> memref<64xi32, #tpu.memory_space<vmem>>
      %dma_start3A_59 = arith.constant 0 : i32
      %dma_start3A_60 = arith.constant 0 : i32
      %dma_start3A_61 = tpu.memref_slice %arg2[%dma_start3A_59, %dma_start3A_60] : memref<10000x128xf32, #tpu.memory_space<hbm>> -> memref<10000x128xf32, #tpu.memory_space<hbm>>
      tpu.enqueue_indirect_dma source(%dma_start3A_61 : memref<10000x128xf32, #tpu.memory_space<hbm>>) target(%dma_start3A_53 : memref<64x128xf32, #tpu.memory_space<vmem>>) offsets(%dma_start3A_58 : memref<64xi32, #tpu.memory_space<vmem>>) semaphore(%arg12 : memref<!tpu.dma_semaphore, #tpu.memory_space<semaphore_mem>>)
      %dma_start3A_62 = arith.constant 1 : i32
      %dma_start3A_63 = arith.constant 64 : i32
      %dma_start3A_64 = arith.constant 0 : i32
      %dma_start3A_65 = tpu.memref_slice %arg8[%dma_start3A_63, %dma_start3A_64] : memref<128x128xf32, #tpu.memory_space<vmem>> -> memref<64x128xf32, #tpu.memory_space<vmem>>
      %dma_start3A_66 = arith.constant 0 : i32
      %dma_start3A_67 = tpu.memref_slice %arg5[%dma_start3A_62, %dma_start3A_66] : memref<16x128xi32, #tpu.memory_space<vmem>> -> memref<1x128xi32, #tpu.memory_space<vmem>>
      %dma_start3A_68 = tpu.memref_squeeze %dma_start3A_67 : memref<1x128xi32, #tpu.memory_space<vmem>> -> memref<128xi32, #tpu.memory_space<vmem>>
      %dma_start3A_69 = arith.constant 64 : i32
      %dma_start3A_70 = tpu.memref_slice %dma_start3A_68[%dma_start3A_69] : memref<128xi32, #tpu.memory_space<vmem>> -> memref<64xi32, #tpu.memory_space<vmem>>
      %dma_start3A_71 = arith.constant 0 : i32
      %dma_start3A_72 = arith.constant 0 : i32
      %dma_start3A_73 = tpu.memref_slice %arg2[%dma_start3A_71, %dma_start3A_72] : memref<10000x128xf32, #tpu.memory_space<hbm>> -> memref<10000x128xf32, #tpu.memory_space<hbm>>
      tpu.enqueue_indirect_dma source(%dma_start3A_73 : memref<10000x128xf32, #tpu.memory_space<hbm>>) target(%dma_start3A_65 : memref<64x128xf32, #tpu.memory_space<vmem>>) offsets(%dma_start3A_70 : memref<64xi32, #tpu.memory_space<vmem>>) semaphore(%arg13 : memref<!tpu.dma_semaphore, #tpu.memory_space<semaphore_mem>>)
      %scan3A_74 = arith.constant 0 : i32
      %scan3A_75 = arith.constant 8 : i32
      %scan3A_76 = arith.addi %scan3A_74, %scan3A_75 : i32
      %scan3A_77 = arith.constant 1 : i32
      scf.for %scan3A_79 = %scan3A_74 to %scan3A_76 step %scan3A_77  : i32 {
        %mul3A_80 = arith.constant 2 : i32
        %mul3A_81 = arith.muli %scan3A_79, %mul3A_80 : i32
        %add3A_82 = arith.constant 0 : i32
        %add3A_83 = arith.addi %add3A_82, %mul3A_81 : i32
        %dma_wait3A = arith.constant 0 : i32
        %dma_wait3A_84 = arith.constant 0 : i32
        %dma_wait3A_85 = tpu.memref_slice %arg7[%dma_wait3A, %dma_wait3A_84] : memref<128x128xf32, #tpu.memory_space<vmem>> -> memref<64x128xf32, #tpu.memory_space<vmem>>
        %dma_wait3A_86 = arith.constant 0 : i32
        %dma_wait3A_87 = tpu.memref_slice %arg5[%add3A_83, %dma_wait3A_86] : memref<16x128xi32, #tpu.memory_space<vmem>> -> memref<1x128xi32, #tpu.memory_space<vmem>>
        %dma_wait3A_88 = tpu.memref_squeeze %dma_wait3A_87 : memref<1x128xi32, #tpu.memory_space<vmem>> -> memref<128xi32, #tpu.memory_space<vmem>>
        %dma_wait3A_89 = arith.constant 0 : i32
        %dma_wait3A_90 = tpu.memref_slice %dma_wait3A_88[%dma_wait3A_89] : memref<128xi32, #tpu.memory_space<vmem>> -> memref<64xi32, #tpu.memory_space<vmem>>
        %dma_wait3A_91 = arith.constant 0 : i32
        %dma_wait3A_92 = arith.constant 0 : i32
        %dma_wait3A_93 = tpu.memref_slice %arg2[%dma_wait3A_91, %dma_wait3A_92] : memref<10000x128xf32, #tpu.memory_space<hbm>> -> memref<10000x128xf32, #tpu.memory_space<hbm>>
        tpu.wait_indirect_dma semaphore(%arg10 : memref<!tpu.dma_semaphore, #tpu.memory_space<semaphore_mem>>) src(%dma_wait3A_93 : memref<10000x128xf32, #tpu.memory_space<hbm>>) dst(%dma_wait3A_85 : memref<64x128xf32, #tpu.memory_space<vmem>>)
        %dma_wait3A_94 = arith.constant 64 : i32
        %dma_wait3A_95 = arith.constant 0 : i32
        %dma_wait3A_96 = tpu.memref_slice %arg7[%dma_wait3A_94, %dma_wait3A_95] : memref<128x128xf32, #tpu.memory_space<vmem>> -> memref<64x128xf32, #tpu.memory_space<vmem>>
        %dma_wait3A_97 = arith.constant 0 : i32
        %dma_wait3A_98 = tpu.memref_slice %arg5[%add3A_83, %dma_wait3A_97] : memref<16x128xi32, #tpu.memory_space<vmem>> -> memref<1x128xi32, #tpu.memory_space<vmem>>
        %dma_wait3A_99 = tpu.memref_squeeze %dma_wait3A_98 : memref<1x128xi32, #tpu.memory_space<vmem>> -> memref<128xi32, #tpu.memory_space<vmem>>
        %dma_wait3A_100 = arith.constant 64 : i32
        %dma_wait3A_101 = tpu.memref_slice %dma_wait3A_99[%dma_wait3A_100] : memref<128xi32, #tpu.memory_space<vmem>> -> memref<64xi32, #tpu.memory_space<vmem>>
        %dma_wait3A_102 = arith.constant 0 : i32
        %dma_wait3A_103 = arith.constant 0 : i32
        %dma_wait3A_104 = tpu.memref_slice %arg2[%dma_wait3A_102, %dma_wait3A_103] : memref<10000x128xf32, #tpu.memory_space<hbm>> -> memref<10000x128xf32, #tpu.memory_space<hbm>>
        tpu.wait_indirect_dma semaphore(%arg11 : memref<!tpu.dma_semaphore, #tpu.memory_space<semaphore_mem>>) src(%dma_wait3A_104 : memref<10000x128xf32, #tpu.memory_space<hbm>>) dst(%dma_wait3A_96 : memref<64x128xf32, #tpu.memory_space<vmem>>)
        "tpu.region"() ({
          %run_scoped3A_142 = tpu.sem_alloc : memref<!tpu.dma_semaphore, #tpu.memory_space<semaphore_mem>>
          %dma_start3A_143 = arith.constant 0 : i32
          %dma_start3A_144 = tpu.memref_slice %arg6[%add3A_83, %dma_start3A_143] : memref<16x128xi32, #tpu.memory_space<vmem>> -> memref<1x128xi32, #tpu.memory_space<vmem>>
          %dma_start3A_145 = tpu.memref_squeeze %dma_start3A_144 : memref<1x128xi32, #tpu.memory_space<vmem>> -> memref<128xi32, #tpu.memory_space<vmem>>
          %dma_start3A_146 = arith.constant 0 : i32
          %dma_start3A_147 = arith.constant 0 : i32
          %dma_start3A_148 = tpu.memref_slice %arg9[%dma_start3A_146, %dma_start3A_147] : memref<10240x128xf32, #tpu.memory_space<vmem_shared>> -> memref<10240x128xf32, #tpu.memory_space<vmem_shared>>
          tpu.enqueue_indirect_dma source(%arg7 : memref<128x128xf32, #tpu.memory_space<vmem>>) target(%dma_start3A_148 : memref<10240x128xf32, #tpu.memory_space<vmem_shared>>) offsets(%dma_start3A_145 : memref<128xi32, #tpu.memory_space<vmem>>) semaphore(%run_scoped3A_142 : memref<!tpu.dma_semaphore, #tpu.memory_space<semaphore_mem>>) {add = true}
          %dma_wait3A_149 = arith.constant 0 : i32
          %dma_wait3A_150 = tpu.memref_slice %arg6[%add3A_83, %dma_wait3A_149] : memref<16x128xi32, #tpu.memory_space<vmem>> -> memref<1x128xi32, #tpu.memory_space<vmem>>
          %dma_wait3A_151 = tpu.memref_squeeze %dma_wait3A_150 : memref<1x128xi32, #tpu.memory_space<vmem>> -> memref<128xi32, #tpu.memory_space<vmem>>
          %dma_wait3A_152 = arith.constant 0 : i32
          %dma_wait3A_153 = arith.constant 0 : i32
          %dma_wait3A_154 = tpu.memref_slice %arg9[%dma_wait3A_152, %dma_wait3A_153] : memref<10240x128xf32, #tpu.memory_space<vmem_shared>> -> memref<10240x128xf32, #tpu.memory_space<vmem_shared>>
          tpu.wait_indirect_dma semaphore(%run_scoped3A_142 : memref<!tpu.dma_semaphore, #tpu.memory_space<semaphore_mem>>) src(%arg7 : memref<128x128xf32, #tpu.memory_space<vmem>>) dst(%dma_wait3A_154 : memref<10240x128xf32, #tpu.memory_space<vmem_shared>>)
          tpu.yield
        }) : () -> ()
        %add3A_105 = arith.constant 2 : i32
        %add3A_106 = arith.addi %add3A_83, %add3A_105 : i32
        %lt3A = arith.constant 16 : i32
        %lt3A_107 = arith.cmpi slt, %add3A_106, %lt3A : i32
        %convert_element_type3A = arith.extui %lt3A_107 : i1 to i32
        %cond3A = arith.constant 0 : i32
        %cond3A_108 = arith.cmpi ne, %convert_element_type3A, %cond3A : i32
        scf.if %cond3A_108 {
          %add3A_142 = arith.constant 2 : i32
          %add3A_143 = arith.addi %add3A_83, %add3A_142 : i32
          %dma_start3A_144 = arith.constant 0 : i32
          %dma_start3A_145 = arith.constant 0 : i32
          %dma_start3A_146 = tpu.memref_slice %arg7[%dma_start3A_144, %dma_start3A_145] : memref<128x128xf32, #tpu.memory_space<vmem>> -> memref<64x128xf32, #tpu.memory_space<vmem>>
          %dma_start3A_147 = arith.constant 0 : i32
          %dma_start3A_148 = tpu.memref_slice %arg5[%add3A_143, %dma_start3A_147] : memref<16x128xi32, #tpu.memory_space<vmem>> -> memref<1x128xi32, #tpu.memory_space<vmem>>
          %dma_start3A_149 = tpu.memref_squeeze %dma_start3A_148 : memref<1x128xi32, #tpu.memory_space<vmem>> -> memref<128xi32, #tpu.memory_space<vmem>>
          %dma_start3A_150 = arith.constant 0 : i32
          %dma_start3A_151 = tpu.memref_slice %dma_start3A_149[%dma_start3A_150] : memref<128xi32, #tpu.memory_space<vmem>> -> memref<64xi32, #tpu.memory_space<vmem>>
          %dma_start3A_152 = arith.constant 0 : i32
          %dma_start3A_153 = arith.constant 0 : i32
          %dma_start3A_154 = tpu.memref_slice %arg2[%dma_start3A_152, %dma_start3A_153] : memref<10000x128xf32, #tpu.memory_space<hbm>> -> memref<10000x128xf32, #tpu.memory_space<hbm>>
          tpu.enqueue_indirect_dma source(%dma_start3A_154 : memref<10000x128xf32, #tpu.memory_space<hbm>>) target(%dma_start3A_146 : memref<64x128xf32, #tpu.memory_space<vmem>>) offsets(%dma_start3A_151 : memref<64xi32, #tpu.memory_space<vmem>>) semaphore(%arg10 : memref<!tpu.dma_semaphore, #tpu.memory_space<semaphore_mem>>)
          %dma_start3A_155 = arith.constant 64 : i32
          %dma_start3A_156 = arith.constant 0 : i32
          %dma_start3A_157 = tpu.memref_slice %arg7[%dma_start3A_155, %dma_start3A_156] : memref<128x128xf32, #tpu.memory_space<vmem>> -> memref<64x128xf32, #tpu.memory_space<vmem>>
          %dma_start3A_158 = arith.constant 0 : i32
          %dma_start3A_159 = tpu.memref_slice %arg5[%add3A_143, %dma_start3A_158] : memref<16x128xi32, #tpu.memory_space<vmem>> -> memref<1x128xi32, #tpu.memory_space<vmem>>
          %dma_start3A_160 = tpu.memref_squeeze %dma_start3A_159 : memref<1x128xi32, #tpu.memory_space<vmem>> -> memref<128xi32, #tpu.memory_space<vmem>>
          %dma_start3A_161 = arith.constant 64 : i32
          %dma_start3A_162 = tpu.memref_slice %dma_start3A_160[%dma_start3A_161] : memref<128xi32, #tpu.memory_space<vmem>> -> memref<64xi32, #tpu.memory_space<vmem>>
          %dma_start3A_163 = arith.constant 0 : i32
          %dma_start3A_164 = arith.constant 0 : i32
          %dma_start3A_165 = tpu.memref_slice %arg2[%dma_start3A_163, %dma_start3A_164] : memref<10000x128xf32, #tpu.memory_space<hbm>> -> memref<10000x128xf32, #tpu.memory_space<hbm>>
          tpu.enqueue_indirect_dma source(%dma_start3A_165 : memref<10000x128xf32, #tpu.memory_space<hbm>>) target(%dma_start3A_157 : memref<64x128xf32, #tpu.memory_space<vmem>>) offsets(%dma_start3A_162 : memref<64xi32, #tpu.memory_space<vmem>>) semaphore(%arg11 : memref<!tpu.dma_semaphore, #tpu.memory_space<semaphore_mem>>)
        } else {
        }
        %add3A_109 = arith.constant 1 : i32
        %add3A_110 = arith.addi %add3A_83, %add3A_109 : i32
        %dma_wait3A_111 = arith.constant 0 : i32
        %dma_wait3A_112 = arith.constant 0 : i32
        %dma_wait3A_113 = tpu.memref_slice %arg8[%dma_wait3A_111, %dma_wait3A_112] : memref<128x128xf32, #tpu.memory_space<vmem>> -> memref<64x128xf32, #tpu.memory_space<vmem>>
        %dma_wait3A_114 = arith.constant 0 : i32
        %dma_wait3A_115 = tpu.memref_slice %arg5[%add3A_110, %dma_wait3A_114] : memref<16x128xi32, #tpu.memory_space<vmem>> -> memref<1x128xi32, #tpu.memory_space<vmem>>
        %dma_wait3A_116 = tpu.memref_squeeze %dma_wait3A_115 : memref<1x128xi32, #tpu.memory_space<vmem>> -> memref<128xi32, #tpu.memory_space<vmem>>
        %dma_wait3A_117 = arith.constant 0 : i32
        %dma_wait3A_118 = tpu.memref_slice %dma_wait3A_116[%dma_wait3A_117] : memref<128xi32, #tpu.memory_space<vmem>> -> memref<64xi32, #tpu.memory_space<vmem>>
        %dma_wait3A_119 = arith.constant 0 : i32
        %dma_wait3A_120 = arith.constant 0 : i32
        %dma_wait3A_121 = tpu.memref_slice %arg2[%dma_wait3A_119, %dma_wait3A_120] : memref<10000x128xf32, #tpu.memory_space<hbm>> -> memref<10000x128xf32, #tpu.memory_space<hbm>>
        tpu.wait_indirect_dma semaphore(%arg12 : memref<!tpu.dma_semaphore, #tpu.memory_space<semaphore_mem>>) src(%dma_wait3A_121 : memref<10000x128xf32, #tpu.memory_space<hbm>>) dst(%dma_wait3A_113 : memref<64x128xf32, #tpu.memory_space<vmem>>)
        %dma_wait3A_122 = arith.constant 64 : i32
        %dma_wait3A_123 = arith.constant 0 : i32
        %dma_wait3A_124 = tpu.memref_slice %arg8[%dma_wait3A_122, %dma_wait3A_123] : memref<128x128xf32, #tpu.memory_space<vmem>> -> memref<64x128xf32, #tpu.memory_space<vmem>>
        %dma_wait3A_125 = arith.constant 0 : i32
        %dma_wait3A_126 = tpu.memref_slice %arg5[%add3A_110, %dma_wait3A_125] : memref<16x128xi32, #tpu.memory_space<vmem>> -> memref<1x128xi32, #tpu.memory_space<vmem>>
        %dma_wait3A_127 = tpu.memref_squeeze %dma_wait3A_126 : memref<1x128xi32, #tpu.memory_space<vmem>> -> memref<128xi32, #tpu.memory_space<vmem>>
        %dma_wait3A_128 = arith.constant 64 : i32
        %dma_wait3A_129 = tpu.memref_slice %dma_wait3A_127[%dma_wait3A_128] : memref<128xi32, #tpu.memory_space<vmem>> -> memref<64xi32, #tpu.memory_space<vmem>>
        %dma_wait3A_130 = arith.constant 0 : i32
        %dma_wait3A_131 = arith.constant 0 : i32
        %dma_wait3A_132 = tpu.memref_slice %arg2[%dma_wait3A_130, %dma_wait3A_131] : memref<10000x128xf32, #tpu.memory_space<hbm>> -> memref<10000x128xf32, #tpu.memory_space<hbm>>
        tpu.wait_indirect_dma semaphore(%arg13 : memref<!tpu.dma_semaphore, #tpu.memory_space<semaphore_mem>>) src(%dma_wait3A_132 : memref<10000x128xf32, #tpu.memory_space<hbm>>) dst(%dma_wait3A_124 : memref<64x128xf32, #tpu.memory_space<vmem>>)
        %add3A_133 = arith.constant 1 : i32
        %add3A_134 = arith.addi %add3A_83, %add3A_133 : i32
        "tpu.region"() ({
          %run_scoped3A_142 = tpu.sem_alloc : memref<!tpu.dma_semaphore, #tpu.memory_space<semaphore_mem>>
          %dma_start3A_143 = arith.constant 0 : i32
          %dma_start3A_144 = tpu.memref_slice %arg6[%add3A_134, %dma_start3A_143] : memref<16x128xi32, #tpu.memory_space<vmem>> -> memref<1x128xi32, #tpu.memory_space<vmem>>
          %dma_start3A_145 = tpu.memref_squeeze %dma_start3A_144 : memref<1x128xi32, #tpu.memory_space<vmem>> -> memref<128xi32, #tpu.memory_space<vmem>>
          %dma_start3A_146 = arith.constant 0 : i32
          %dma_start3A_147 = arith.constant 0 : i32
          %dma_start3A_148 = tpu.memref_slice %arg9[%dma_start3A_146, %dma_start3A_147] : memref<10240x128xf32, #tpu.memory_space<vmem_shared>> -> memref<10240x128xf32, #tpu.memory_space<vmem_shared>>
          tpu.enqueue_indirect_dma source(%arg8 : memref<128x128xf32, #tpu.memory_space<vmem>>) target(%dma_start3A_148 : memref<10240x128xf32, #tpu.memory_space<vmem_shared>>) offsets(%dma_start3A_145 : memref<128xi32, #tpu.memory_space<vmem>>) semaphore(%run_scoped3A_142 : memref<!tpu.dma_semaphore, #tpu.memory_space<semaphore_mem>>) {add = true}
          %dma_wait3A_149 = arith.constant 0 : i32
          %dma_wait3A_150 = tpu.memref_slice %arg6[%add3A_134, %dma_wait3A_149] : memref<16x128xi32, #tpu.memory_space<vmem>> -> memref<1x128xi32, #tpu.memory_space<vmem>>
          %dma_wait3A_151 = tpu.memref_squeeze %dma_wait3A_150 : memref<1x128xi32, #tpu.memory_space<vmem>> -> memref<128xi32, #tpu.memory_space<vmem>>
          %dma_wait3A_152 = arith.constant 0 : i32
          %dma_wait3A_153 = arith.constant 0 : i32
          %dma_wait3A_154 = tpu.memref_slice %arg9[%dma_wait3A_152, %dma_wait3A_153] : memref<10240x128xf32, #tpu.memory_space<vmem_shared>> -> memref<10240x128xf32, #tpu.memory_space<vmem_shared>>
          tpu.wait_indirect_dma semaphore(%run_scoped3A_142 : memref<!tpu.dma_semaphore, #tpu.memory_space<semaphore_mem>>) src(%arg8 : memref<128x128xf32, #tpu.memory_space<vmem>>) dst(%dma_wait3A_154 : memref<10240x128xf32, #tpu.memory_space<vmem_shared>>)
          tpu.yield
        }) : () -> ()
        %add3A_135 = arith.constant 3 : i32
        %add3A_136 = arith.addi %add3A_83, %add3A_135 : i32
        %lt3A_137 = arith.constant 16 : i32
        %lt3A_138 = arith.cmpi slt, %add3A_136, %lt3A_137 : i32
        %convert_element_type3A_139 = arith.extui %lt3A_138 : i1 to i32
        %cond3A_140 = arith.constant 0 : i32
        %cond3A_141 = arith.cmpi ne, %convert_element_type3A_139, %cond3A_140 : i32
        scf.if %cond3A_141 {
          %add3A_142 = arith.constant 3 : i32
          %add3A_143 = arith.addi %add3A_83, %add3A_142 : i32
          %dma_start3A_144 = arith.constant 0 : i32
          %dma_start3A_145 = arith.constant 0 : i32
          %dma_start3A_146 = tpu.memref_slice %arg8[%dma_start3A_144, %dma_start3A_145] : memref<128x128xf32, #tpu.memory_space<vmem>> -> memref<64x128xf32, #tpu.memory_space<vmem>>
          %dma_start3A_147 = arith.constant 0 : i32
          %dma_start3A_148 = tpu.memref_slice %arg5[%add3A_143, %dma_start3A_147] : memref<16x128xi32, #tpu.memory_space<vmem>> -> memref<1x128xi32, #tpu.memory_space<vmem>>
          %dma_start3A_149 = tpu.memref_squeeze %dma_start3A_148 : memref<1x128xi32, #tpu.memory_space<vmem>> -> memref<128xi32, #tpu.memory_space<vmem>>
          %dma_start3A_150 = arith.constant 0 : i32
          %dma_start3A_151 = tpu.memref_slice %dma_start3A_149[%dma_start3A_150] : memref<128xi32, #tpu.memory_space<vmem>> -> memref<64xi32, #tpu.memory_space<vmem>>
          %dma_start3A_152 = arith.constant 0 : i32
          %dma_start3A_153 = arith.constant 0 : i32
          %dma_start3A_154 = tpu.memref_slice %arg2[%dma_start3A_152, %dma_start3A_153] : memref<10000x128xf32, #tpu.memory_space<hbm>> -> memref<10000x128xf32, #tpu.memory_space<hbm>>
          tpu.enqueue_indirect_dma source(%dma_start3A_154 : memref<10000x128xf32, #tpu.memory_space<hbm>>) target(%dma_start3A_146 : memref<64x128xf32, #tpu.memory_space<vmem>>) offsets(%dma_start3A_151 : memref<64xi32, #tpu.memory_space<vmem>>) semaphore(%arg12 : memref<!tpu.dma_semaphore, #tpu.memory_space<semaphore_mem>>)
          %dma_start3A_155 = arith.constant 64 : i32
          %dma_start3A_156 = arith.constant 0 : i32
          %dma_start3A_157 = tpu.memref_slice %arg8[%dma_start3A_155, %dma_start3A_156] : memref<128x128xf32, #tpu.memory_space<vmem>> -> memref<64x128xf32, #tpu.memory_space<vmem>>
          %dma_start3A_158 = arith.constant 0 : i32
          %dma_start3A_159 = tpu.memref_slice %arg5[%add3A_143, %dma_start3A_158] : memref<16x128xi32, #tpu.memory_space<vmem>> -> memref<1x128xi32, #tpu.memory_space<vmem>>
          %dma_start3A_160 = tpu.memref_squeeze %dma_start3A_159 : memref<1x128xi32, #tpu.memory_space<vmem>> -> memref<128xi32, #tpu.memory_space<vmem>>
          %dma_start3A_161 = arith.constant 64 : i32
          %dma_start3A_162 = tpu.memref_slice %dma_start3A_160[%dma_start3A_161] : memref<128xi32, #tpu.memory_space<vmem>> -> memref<64xi32, #tpu.memory_space<vmem>>
          %dma_start3A_163 = arith.constant 0 : i32
          %dma_start3A_164 = arith.constant 0 : i32
          %dma_start3A_165 = tpu.memref_slice %arg2[%dma_start3A_163, %dma_start3A_164] : memref<10000x128xf32, #tpu.memory_space<hbm>> -> memref<10000x128xf32, #tpu.memory_space<hbm>>
          tpu.enqueue_indirect_dma source(%dma_start3A_165 : memref<10000x128xf32, #tpu.memory_space<hbm>>) target(%dma_start3A_157 : memref<64x128xf32, #tpu.memory_space<vmem>>) offsets(%dma_start3A_162 : memref<64xi32, #tpu.memory_space<vmem>>) semaphore(%arg13 : memref<!tpu.dma_semaphore, #tpu.memory_space<semaphore_mem>>)
        } else {
        }
      }
      %scan3A_78 = arith.constant 8 : i32
    }
    %scan3A_16 = arith.constant 5 : i32
    %barrier3A_17 = arith.constant 0 : index
    tpu.barrier barrier_id(%barrier3A_17)
    "tpu.region"() ({
      %run_scoped3A = tpu.sem_alloc : memref<!tpu.dma_semaphore, #tpu.memory_space<semaphore_mem>>
      %dma_start3A = arith.constant 0 : i32
      %dma_start3A_18 = arith.constant 0 : i32
      %dma_start3A_19 = tpu.memref_slice %arg4[%arg0, %dma_start3A, %dma_start3A_18] : memref<2x10240x128xf32, #tpu.memory_space<hbm>> -> memref<1x10240x128xf32, #tpu.memory_space<hbm>>
      %dma_start3A_20 = tpu.memref_squeeze %dma_start3A_19 : memref<1x10240x128xf32, #tpu.memory_space<hbm>> -> memref<10240x128xf32, #tpu.memory_space<hbm>>
      %dma_start3A_21 = arith.constant 0 : i32
      %dma_start3A_22 = tpu.memref_slice %dma_start3A_20[%multiple_of3A, %dma_start3A_21] : memref<10240x128xf32, #tpu.memory_space<hbm>> -> memref<640x128xf32, #tpu.memory_space<hbm>>
      %dma_start3A_23 = arith.constant 0 : i32
      %dma_start3A_24 = tpu.memref_slice %arg9[%multiple_of3A, %dma_start3A_23] : memref<10240x128xf32, #tpu.memory_space<vmem_shared>> -> memref<640x128xf32, #tpu.memory_space<vmem_shared>>
      tpu.enqueue_dma source(%dma_start3A_24 : memref<640x128xf32, #tpu.memory_space<vmem_shared>>) target(%dma_start3A_22 : memref<640x128xf32, #tpu.memory_space<hbm>>) target_semaphore(%run_scoped3A : memref<!tpu.dma_semaphore, #tpu.memory_space<semaphore_mem>>)
      %dma_wait3A = arith.constant 0 : i32
      %dma_wait3A_25 = arith.constant 0 : i32
      %dma_wait3A_26 = tpu.memref_slice %arg4[%arg0, %dma_wait3A, %dma_wait3A_25] : memref<2x10240x128xf32, #tpu.memory_space<hbm>> -> memref<1x10240x128xf32, #tpu.memory_space<hbm>>
      %dma_wait3A_27 = tpu.memref_squeeze %dma_wait3A_26 : memref<1x10240x128xf32, #tpu.memory_space<hbm>> -> memref<10240x128xf32, #tpu.memory_space<hbm>>
      %dma_wait3A_28 = arith.constant 0 : i32
      %dma_wait3A_29 = tpu.memref_slice %dma_wait3A_27[%multiple_of3A, %dma_wait3A_28] : memref<10240x128xf32, #tpu.memory_space<hbm>> -> memref<640x128xf32, #tpu.memory_space<hbm>>
      %dma_wait3A_30 = arith.constant 0 : i32
      %dma_wait3A_31 = tpu.memref_slice %arg9[%multiple_of3A, %dma_wait3A_30] : memref<10240x128xf32, #tpu.memory_space<vmem_shared>> -> memref<640x128xf32, #tpu.memory_space<vmem_shared>>
      tpu.wait_dma2 semaphore(%run_scoped3A : memref<!tpu.dma_semaphore, #tpu.memory_space<semaphore_mem>>) src(%dma_wait3A_31 : memref<640x128xf32, #tpu.memory_space<vmem_shared>>) dst(%dma_wait3A_29 : memref<640x128xf32, #tpu.memory_space<hbm>>)
      tpu.yield
    }) : () -> ()
    return
  }
}

module attributes {stable_mosaic.version = 14 : i64} {
  func.func @body(%arg0: i32, %arg1: memref<2000x128xf32, #tpu.memory_space<vmem>>, %arg2: memref<2x2000x128xf32, #tpu.memory_space<vmem>>, %arg3: memref<128x128xf32, #tpu.memory_space<vmem>>, %arg4: memref<2x128xf32, #tpu.memory_space<vmem>>, %arg5: memref<128x128xf32, #tpu.memory_space<vmem>>, %arg6: memref<2000x128xf32, #tpu.memory_space<vmem>>) attributes {dimension_semantics = [#tpu.dimension_semantics<arbitrary>], iteration_bounds = array<i64: 5>, scalar_prefetch = 0 : i64, scratch_operands = 0 : i64, tpu.core_type = #tpu.core_type<tc>, window_params = [{transform_indices = @transform_0, window_bounds = array<i64: 2000, 128>}, {transform_indices = @transform_1, window_bounds = array<i64: 2, 2000, 128>}, {pipeline_mode = #tpu.pipeline_mode<synchronous>, transform_indices = @transform_2, window_bounds = array<i64: 128, 128>}, {pipeline_mode = #tpu.pipeline_mode<synchronous>, transform_indices = @transform_3, window_bounds = array<i64: 2, 128>}, {pipeline_mode = #tpu.pipeline_mode<synchronous>, transform_indices = @transform_4, window_bounds = array<i64: 128, 128>}, {transform_indices = @transform_5, window_bounds = array<i64: 2000, 128>}]} {
    %get3A = arith.constant 0 : index
    %get3A_0 = arith.constant 0 : index
    %get3A_1 = vector.load %arg1[%get3A, %get3A_0] : memref<2000x128xf32, #tpu.memory_space<vmem>>, vector<2000x128xf32>
    %get3A_2 = arith.constant 0 : index
    %get3A_3 = arith.constant 0 : index
    %get3A_4 = arith.constant 0 : index
    %get3A_5 = vector.load %arg2[%get3A_2, %get3A_3, %get3A_4] : memref<2x2000x128xf32, #tpu.memory_space<vmem>>, vector<1x2000x128xf32>
    %get3A_6 = vector.shape_cast %get3A_5 : vector<1x2000x128xf32> to vector<2000x128xf32>
    %add3A = arith.addf %get3A_1, %get3A_6 : vector<2000x128xf32>
    %get3A_7 = arith.constant 1 : index
    %get3A_8 = arith.constant 0 : index
    %get3A_9 = arith.constant 0 : index
    %get3A_10 = vector.load %arg2[%get3A_7, %get3A_8, %get3A_9] : memref<2x2000x128xf32, #tpu.memory_space<vmem>>, vector<1x2000x128xf32>
    %get3A_11 = vector.shape_cast %get3A_10 : vector<1x2000x128xf32> to vector<2000x128xf32>
    %add3A_12 = arith.addf %add3A, %get3A_11 : vector<2000x128xf32>
    %get3A_13 = arith.constant 0 : index
    %get3A_14 = arith.constant 0 : index
    %get3A_15 = vector.load %arg3[%get3A_13, %get3A_14] : memref<128x128xf32, #tpu.memory_space<vmem>>, vector<128x128xf32>
    %dot_general3A = arith.constant dense<0.000000e+00> : vector<2000x128xf32>
    %dot_general3A_16 = tpu.matmul %add3A_12, %get3A_15, %dot_general3A {dimension_numbers = #tpu.dot_dimension_numbers<[1], [0], [0], [1], [0, 0, 1, 1], [], []>, transpose_lhs_hint = false} : vector<2000x128xf32>, vector<128x128xf32>, vector<2000x128xf32> -> vector<2000x128xf32>
    %get3A_17 = arith.constant 0 : index
    %get3A_18 = arith.constant 0 : index
    %get3A_19 = vector.load %arg4[%get3A_17, %get3A_18] : memref<2x128xf32, #tpu.memory_space<vmem>>, vector<1x128xf32>
    %get3A_20 = vector.shape_cast %get3A_19 : vector<1x128xf32> to vector<128xf32>
    %broadcast_in_dim3A = vector.shape_cast %get3A_20 : vector<128xf32> to vector<1x128xf32>
    %add3A_21 = vector.broadcast %broadcast_in_dim3A : vector<1x128xf32> to vector<2000x128xf32>
    %add3A_22 = arith.addf %dot_general3A_16, %add3A_21 : vector<2000x128xf32>
    %max3A = arith.constant 0.000000e+00 : f32
    %max3A_23 = vector.broadcast %max3A : f32 to vector<2000x128xf32>
    %max3A_24 = arith.maximumf %add3A_22, %max3A_23 : vector<2000x128xf32>
    %get3A_25 = arith.constant 0 : index
    %get3A_26 = arith.constant 0 : index
    %get3A_27 = vector.load %arg5[%get3A_25, %get3A_26] : memref<128x128xf32, #tpu.memory_space<vmem>>, vector<128x128xf32>
    %dot_general3A_28 = arith.constant dense<0.000000e+00> : vector<2000x128xf32>
    %dot_general3A_29 = tpu.matmul %max3A_24, %get3A_27, %dot_general3A_28 {dimension_numbers = #tpu.dot_dimension_numbers<[1], [0], [0], [1], [0, 0, 1, 1], [], []>, transpose_lhs_hint = false} : vector<2000x128xf32>, vector<128x128xf32>, vector<2000x128xf32> -> vector<2000x128xf32>
    %get3A_30 = arith.constant 1 : index
    %get3A_31 = arith.constant 0 : index
    %get3A_32 = vector.load %arg4[%get3A_30, %get3A_31] : memref<2x128xf32, #tpu.memory_space<vmem>>, vector<1x128xf32>
    %get3A_33 = vector.shape_cast %get3A_32 : vector<1x128xf32> to vector<128xf32>
    %broadcast_in_dim3A_34 = vector.shape_cast %get3A_33 : vector<128xf32> to vector<1x128xf32>
    %add3A_35 = vector.broadcast %broadcast_in_dim3A_34 : vector<1x128xf32> to vector<2000x128xf32>
    %add3A_36 = arith.addf %dot_general3A_29, %add3A_35 : vector<2000x128xf32>
    %swap3A = arith.constant 0 : index
    %swap3A_37 = arith.constant 0 : index
    %swap3A_38 = vector.load %arg6[%swap3A, %swap3A_37] : memref<2000x128xf32, #tpu.memory_space<vmem>>, vector<2000x128xf32>
    tpu.vector_store %arg6[%swap3A, %swap3A_37], %add3A_36 {strides = array<i32>} : memref<2000x128xf32, #tpu.memory_space<vmem>>, vector<2000x128xf32>,
    return
  }
  func.func @transform_0(%arg0: i32) -> (i32, i32) {
    %c0_i32 = arith.constant 0 : i32
    %c0_i32_0 = arith.constant 0 : i32
    return %arg0, %c0_i32 : i32, i32
  }
  func.func @transform_1(%arg0: i32) -> (i32, i32, i32) {
    %c0_i32 = arith.constant 0 : i32
    %c0_i32_0 = arith.constant 0 : i32
    %c0_i32_1 = arith.constant 0 : i32
    return %c0_i32, %arg0, %c0_i32_0 : i32, i32, i32
  }
  func.func @transform_2(%arg0: i32) -> (i32, i32) {
    %c0_i32 = arith.constant 0 : i32
    %c0_i32_0 = arith.constant 0 : i32
    %c0_i32_1 = arith.constant 0 : i32
    return %c0_i32, %c0_i32_0 : i32, i32
  }
  func.func @transform_3(%arg0: i32) -> (i32, i32) {
    %c0_i32 = arith.constant 0 : i32
    %c0_i32_0 = arith.constant 0 : i32
    %c0_i32_1 = arith.constant 0 : i32
    return %c0_i32, %c0_i32_0 : i32, i32
  }
  func.func @transform_4(%arg0: i32) -> (i32, i32) {
    %c0_i32 = arith.constant 0 : i32
    %c0_i32_0 = arith.constant 0 : i32
    %c0_i32_1 = arith.constant 0 : i32
    return %c0_i32, %c0_i32_0 : i32, i32
  }
  func.func @transform_5(%arg0: i32) -> (i32, i32) {
    %c0_i32 = arith.constant 0 : i32
    %c0_i32_0 = arith.constant 0 : i32
    return %arg0, %c0_i32 : i32, i32
  }
}

</mosaic_0001>

<sc_bundles>
// kernel: kernel.4.cloned.1.call-start
scs
__scs_entry_jumppad:
0x0: {  	(pc) =	sbr.rel $0x88, $3  }
0x1: {  	(tag) =	ssettag $0x0;
	lr =	simm.s32 $0x1  }
0x2: {  	[smem:$0x3F9B] =	sst lr;
	_ =	strace $0xD0000000  }
0x3: {  	_ = 	snop  }
0x4: {  	_ = 	snop  }
0x5: {  	_ = 	snop  }
0x6: {  	_ = 	snop  }
0x7: {  	_ = 	snop  }
__scs_overlays_trampoline_lowered:
0x8: {  	[smem:$0x3FAA] =	sst s0  }
0x9: {  	[smem:$0x3FAB] =	sst s1  }
0xa: {  	[smem:$0x3FAC] =	sst s2  }
0xb: {  	[smem:$0x3FAD] =	sst s3  }
0xc: {  	[smem:$0x3FAE] =	sst s4  }
0xd: {  	[smem:$0x3FAF] =	sst s5  }
0xe: {  	[smem:$0x3FB0] =	sst s6  }
0xf: {  	[smem:$0x3FB1] =	sst s7  }
0x10: {  	[smem:$0x3FB2] =	sst s8  }
0x11: {  	[smem:$0x3FB3] =	sst s9;
	s0 =	simm.s32 @!p0 $0x0  }
0x12: {  	s1 =	sld [smem:$0x3F99];
	s0 =	simm.s32 @p0 $0x1  }
0x13: {  	[smem:$0x3FB4] =	sst s0;
	s0 =	simm.s32 @!p1 $0x0  }
0x14: {  	s2 =	sld [smem:$0x3F98];
	s0 =	simm.s32 @p1 $0x1  }
0x15: {  	[smem:$0x3FB5] =	sst s0;
	s0 =	simm.s32 @!p2 $0x0  }
0x16: {  	s3 =	sld [smem:$0x3FDB];
	s0 =	simm.s32 @p2 $0x1  }
0x17: {  	s4 =	simm.s32 $0x1BF5;
	[smem:$0x3FB7] =	sst s0  }
0x18: {  	s0 =	sld [smem:$0x3F9A];
	_ =	swait.ge [sflag:s4], $0x0  }
0x19: {  	s7 =	sld [smem:$0x3F9B]  }
0x1a: {  	s8 =	sadd.s32 $0xFFFFE003, lr  }
0x1b: {  	s9 =	sadd.s32 $0xFFFFFEF7, lr;
	s5 =	simm.s32 $0xFFFFFFFF;
	p2 =	slt.u32 s8, $0xFFFFF086  }
0x1c: {  	p1 =	slt.u32 s9, $0xF7A;
	s5 =	simm.s32 @!p2 $0x0  }
0x1d: {  	s5 =	simm.s32 @p1 $0x1;
	p0 =	seq.s32 s7, s2  }
0x1e: {  	s7 =	smul.u32 @!p0 $0xF7A, s2;
	p2 =	seq.s32 @!p0 s5, $0x0  }
0x1f: {  	s9 =	smul.u32 $0xF7A, s1;
	s8 =	simm.s32 @!p0 $0x1BF5;
	p2 =	por !p2, p0  }
0x20: {  	[sflag:s8] =	ssyncset.s32 @!p0 $0xFFFFF086;
	s6 =	sadd.s32 @!p0 s3, s7;
	s7 =	simm.s32 @!p0 $0x108  }
0x21: {  	s3 =	sadd.s32 s3, s9;
	s6 =	sadd.s32 @!p0 $0x88, s6;
	s7 =	simm.s32 @p2 $0x1082  }
0x22: {  	[simem:s7], [sflag:s8] =	dma.local @!p0 [hbm:s6], $0xF7A  }
0x23: {  	s9 =	sor.u32 $0xD0000000, s2;
	s6 =	simm.s32 $0x108;
	_ =	swait.ge @!p0 [sflag:s8], $0x0  }
0x24: {  	s3 =	sadd.s32 $0x88, s3;
	s6 =	simm.s32 @!p1 $0x1082;
	[sflag:s4] =	ssyncset.s32 $0xFFFFF086  }
0x25: {  	[simem:s6], [sflag:s4] =	dma.local [hbm:s3], $0xF7A  }
0x26: {  	[smem:$0x3F9B] =	sst s1;
	(tag) =	ssettag s2;
	_ =	strace s9  }
0x27: {  	s1 =	sld [smem:$0x3FAB]  }
0x28: {  	s2 =	sld [smem:$0x3FAC]  }
0x29: {  	s4 =	sld [smem:$0x3FAE]  }
0x2a: {  	p0 =	seq.s32 s5, $0x0;
	s5 =	sld [smem:$0x3FAF]  }
0x2b: {  	s6 =	sld [smem:$0x3FB0]  }
0x2c: {  	s7 =	sld [smem:$0x3FB1]  }
0x2d: {  	s3 =	simm.s32 $0x108;
	s8 =	sld [smem:$0x3FB2]  }
0x2e: {  	s3 =	simm.s32 @!p0 $0x1082;
	s9 =	sld [smem:$0x3FB3]  }
0x2f: {  	lr =	sadd.s32 s0, s3;
	s0 =	sld [smem:$0x3FAA]  }
0x30: {  	s3 =	sld [smem:$0x3FAD]  }
0x31: {  	[smem:$0x3FB6] =	sst s10  }
0x32: {  	s10 =	sld [smem:$0x3FB4];
	_ =	sdelay $0x3  }
0x33: {  	p0 =	seq.s32 s10, $0x1;
	s10 =	sld [smem:$0x3FB6];
	_ =	sdelay $0x3  }
0x34: {  	[smem:$0x3FB6] =	sst s10  }
0x35: {  	s10 =	sld [smem:$0x3FB5];
	_ =	sdelay $0x3  }
0x36: {  	p1 =	seq.s32 s10, $0x1;
	s10 =	sld [smem:$0x3FB6];
	_ =	sdelay $0x3  }
0x37: {  	[smem:$0x3FB6] =	sst s10  }
0x38: {  	s10 =	sld [smem:$0x3FB7]  }
0x39: {  	_ = 	snop;
	(pc) =	sbr.ind lr, $3  }
0x3a: {  	_ = 	snop  }
0x3b: {  	_ = 	snop  }
0x3c: {  	p2 =	seq.s32 s10, $0x1;
	s10 =	sld [smem:$0x3FB6]  }
0x3d: {  	_ =	shalt  }
0x3e: {  	_ =	shalt  }
0x3f: {  	_ =	shalt  }
0x40: {  	_ =	shalt  }
0x41: {  	_ =	shalt  }
0x42: {  	_ =	shalt  }
0x43: {  	_ =	shalt  }
0x44: {  	_ =	shalt  }
0x45: {  	_ =	shalt  }
0x46: {  	_ =	shalt  }
0x47: {  	_ =	shalt  }
0x48: {  	_ =	shalt  }
0x49: {  	_ =	shalt  }
0x4a: {  	_ =	shalt  }
0x4b: {  	_ =	shalt  }
0x4c: {  	_ =	shalt  }
0x4d: {  	_ =	shalt  }
0x4e: {  	_ =	shalt  }
0x4f: {  	_ =	shalt  }
0x50: {  	_ =	shalt  }
0x51: {  	_ =	shalt  }
0x52: {  	_ =	shalt  }
0x53: {  	_ =	shalt  }
0x54: {  	_ =	shalt  }
0x55: {  	_ =	shalt  }
0x56: {  	_ =	shalt  }
0x57: {  	_ =	shalt  }
0x58: {  	_ =	shalt  }
0x59: {  	_ =	shalt  }
0x5a: {  	_ =	shalt  }
0x5b: {  	_ =	shalt  }
0x5c: {  	_ =	shalt  }
0x5d: {  	_ =	shalt  }
0x5e: {  	_ =	shalt  }
0x5f: {  	_ =	shalt  }
0x60: {  	_ =	shalt  }
0x61: {  	_ =	shalt  }
0x62: {  	_ =	shalt  }
0x63: {  	_ =	shalt  }
0x64: {  	_ =	shalt  }
0x65: {  	_ =	shalt  }
0x66: {  	_ =	shalt  }
0x67: {  	_ =	shalt  }
0x68: {  	_ =	shalt  }
0x69: {  	_ =	shalt  }
0x6a: {  	_ =	shalt  }
0x6b: {  	_ =	shalt  }
0x6c: {  	_ =	shalt  }
0x6d: {  	_ =	shalt  }
0x6e: {  	_ =	shalt  }
0x6f: {  	_ =	shalt  }
0x70: {  	_ =	shalt  }
0x71: {  	_ =	shalt  }
0x72: {  	_ =	shalt  }
0x73: {  	_ =	shalt  }
0x74: {  	_ =	shalt  }
0x75: {  	_ =	shalt  }
0x76: {  	_ =	shalt  }
0x77: {  	_ =	shalt  }
0x78: {  	_ =	shalt  }
0x79: {  	_ =	shalt  }
0x7a: {  	_ =	shalt  }
0x7b: {  	_ =	shalt  }
0x7c: {  	_ =	shalt  }
0x7d: {  	_ =	shalt  }
0x7e: {  	_ =	shalt  }
0x7f: {  	_ =	shalt  }
0x80: {  	_ =	shalt  }
0x81: {  	_ =	shalt  }
0x82: {  	_ =	shalt  }
0x83: {  	_ =	shalt  }
0x84: {  	_ =	shalt  }
0x85: {  	_ =	shalt  }
0x86: {  	_ =	shalt  }
0x87: {  	_ =	shalt  }
.Lfunc_end0:
.L_simem_size_0:
called_computation_lowered:
.L_overlay_start_0:
0x88: {  	s2 =	sld [smem:$0x3FD9]  }
0x89: {  	s3 =	sld [smem:$0x3FFE];
	_ =	sdelay $0x1  }
0x8a: {  	s1 =	srdreg.scid  }
0x8b: {  	s0 =	sand.u32 $0x1, s1  }
0x8c: {  	s17 =	sshll.u32 s0, $0xA;
	s2 =	sadd.s32 s3, s2  }
0x8d: {  	s2 =	sadd.s32 s2, s17  }
0x8e: {  	[smem:$0x3FC2] =	sst s2  }
0x8f: {  	_ = 	snop  }
0x90: {  	s2 =	sld [smem:$0x3FC9]  }
0x91: {  	s18 =	sld [smem:$0x3FD0];
	(tm) =	ssettm $0x1  }
0x92: {  	s4 =	sld [smem:$0x3FFB];
	_ =	sdelay $0x3  }
0x93: {  	_ =	strace s4  }
0x94: {  	s4 =	sld [smem:$0x3FFC];
	_ =	sdelay $0x3  }
0x95: {  	_ =	strace s4  }
0x96: {  	s4 =	sld [smem:$0x3FFD];
	_ =	sdelay $0x3  }
0x97: {  	_ =	strace s4  }
0x98: {  	_ =	strace $0x8FFFFFFF  }
0x99: {  	s19 =	sld [smem:$0x3FDB];
	_ =	sdelay $0x1  }
0x9a: {  	s5 =	simm.s32 $_scs_section_size  }
0x9b: {  	s6 =	simm.s32 $_size__tile_overlayer_lowered;
	s7 =	simm.s32 $_tile_overlayer_lowered  }
0x9c: {  	s22 =	simm.s32 $0x1BFF;
	s21 =	sshll.u32 s7, $0x1;
	s4 =	sadd.s32 s5, s19  }
0x9d: {  	s8 =	simm.s32 $0x0;
	s20 =	sshll.u32 s6, $0x1;
	s6 =	sadd.s32 s21, s4  }
0x9e: {  	[timem:s8], [sflag:s22] =	dma.local [hbm:s6], s20  }
0x9f: {  	_ =	swait.ge [sflag:s22], s20  }
0xa0: {  	s5 =	ssub.s32 $0x0, s20;
	[sflag:s22] =	ssyncset.done $0x0  }
0xa1: {  	[sflag:s22] =	ssyncadd.s32 s5;
	_ =	sdelay $0x1  }
0xa2: {  	s23 =	simm.s32 $0x1B8B  }
0xa3: {  	_ =	swait.ge [sflag:s23], $0x1  }
0xa4: {  	[sflag:s23] =	ssyncset.done $0x0  }
0xa5: {  	s25 =	simm.s32 $0x1B8E;
	s24 =	sld [smem:$0x3FFE];
	[sflag:s23] =	ssyncadd.s32 $0xFFFFFFFF  }
0xa6: {  	s26 =	simm.s32 $execute0_lowered;
	[smem:$0x3FD2] =	sst s25  }
0xa7: {  	s6 =	sshll.u32 s26, $0x1;
	_ =	strace $0x80000046;
	[dreg:$0x1] =	wrdreg $0xFFFFFFFF  }
0xa8: {  	s28 =	simm.s32 $_size_execute0_lowered;
	s4 =	sadd.s32 s4, s6;
	[dreg:$0x0] =	wrdreg $0x0  }
0xa9: {  	s6 =	sshll.u32 s28, $0x1;
	[dreg:$0x2] =	wrdreg s4  }
0xaa: {  	[dreg:$0x3] =	wrdreg s6  }
0xab: {  	[dreg:$0x4] =	wrdreg $0xC0  }
0xac: {  	_ =	task [dreg:s8], $0x5FFFF  }
0xad: {  	[dreg:$0x1] =	wrdreg $0xFFFFFFFF  }
0xae: {  	[dreg:$0x0] =	wrdreg $0x60  }
0xaf: {  	[dreg:$0x2] =	wrdreg s2  }
0xb0: {  	[dreg:$0x3] =	wrdreg s18  }
0xb1: {  	[dreg:$0x4] =	wrdreg s24  }
0xb2: {  	[dreg:$0x5] =	wrdreg $0x90000  }
0xb3: {  	[dreg:$0x6] =	wrdreg $0x9  }
0xb4: {  	_ =	task.clear_ibuf [dreg:s8], $0x7FFFF;
	_ =	strace $0x90000046  }
0xb5: {  	s29 =	simm.s32 $0x9;
	_ =	strace $0x80000048  }
0xb6: {  	_ =	swait.ge [sflag:s29], $0x1  }
0xb7: {  	[sflag:s29] =	ssyncadd.s32 $0xFFFFFFFF  }
0xb8: {  	_ =	strace $0x90000048  }
0xb9: {  	_ =	sfence  }
0xba: {  	s30 =	sld [smem:$0x0];
	_ =	sdelay $0x2  }
0xbb: {  	s31 =	sshll.u32 s1, $0xD;
	s1 =	sshrl.u32 s1, $0x2  }
0xbc: {  	s3 =	sand.u32 $0x4000, s31;
	s1 =	sadd.s32 s1, s30  }
0xbd: {  	s0 =	sor.u32 s3, s0;
	s1 =	sshll.u32 s1, $0x11  }
0xbe: {  	s0 =	sor.u32 s1, s0  }
0xbf: {  	s0 =	sadd.s32 $0x8F2B, s0  }
0xc0: {  	[sflag:s0] =	ssyncadd.remote.s32 $0x1  }
0xc1: {  	_ =	sfence.sel $0xFFFF  }
0xc2: {  	[dreg:$0x0] =	wrdreg $0xFFFFFFFF;
	(pc) =	sbr.abs _section_cstart, $3  }
0xc3: {  	[dreg:$0x1] =	wrdreg $0xFFFFFFFF  }
0xc4: {  	_ =	task.clear_ibuf [dreg:s8], $0x2FFFF;
	_ =	strace $0x9FFFFFFF  }
0xc5: {  	(tm) =	ssettm $0x7FFFFFFF  }
tec
execute0_lowered:
.L_overlay_start_1:
0x0: {  	(tag) =	ssettag $0x1  }
0x1: {  	s0 =	rddreg [dreg:$0x0];
	s1 =	srdreg.scid  }
0x2: {  	s2 =	rddreg [dreg:$0x1];
	s1 =	sand.u32 $0x1, s1  }
0x3: {  	s5 =	rddreg [dreg:$0x2];
	s8 =	stileid.u32;
	s4 =	sshll.u32 s1, $0x4  }
0x4: {  	s3 =	rddreg [dreg:$0x3];
	s6 =	sor.u32 s8, s4;
	s4 =	simm.s32 $0x0  }
0x5: {  	s25 =	simm.s32 $0xC0;
	[smem:$0x7FF] =	sst s4  }
0x6: {  	s26 =	simm.s32 $0x100;
	_ =	strace $0x80000047;
	[dreg:$0x7] =	wrdreg s25  }
0x7: {  	s10 =	simm.s32 $0x180;
	[dreg:$0x8] =	wrdreg s26  }
0x8: {  	s11 =	simm.s32 $0x1C0;
	[dreg:$0xb] =	wrdreg s10  }
0x9: {  	s12 =	simm.s32 $0x900;
	[dreg:$0xc] =	wrdreg s11  }
0xa: {  	s13 =	simm.s32 $0x200;
	[dreg:$0xd] =	wrdreg s12  }
0xb: {  	s15 =	simm.s32 $0x240;
	[dreg:$0xe] =	wrdreg s13  }
0xc: {  	s17 =	simm.s32 $0x980;
	[dreg:$0xf] =	wrdreg s15  }
0xd: {  	s18 =	simm.s32 $0x280;
	[dreg:$0x10] =	wrdreg s17  }
0xe: {  	s20 =	simm.s32 $0x2C0;
	[dreg:$0x11] =	wrdreg s18  }
0xf: {  	s21 =	simm.s32 $0xA00;
	s22 =	simm.s32 $0x300;
	[dreg:$0x12] =	wrdreg s20  }
0x10: {  	s23 =	simm.s32 $0x340;
	s24 =	simm.s32 $0xA80;
	[dreg:$0x13] =	wrdreg s21  }
0x11: {  	s9 =	smul.u32 $0x28000, s1;
	s1 =	ssub.s32 $0x2, s1;
	[dreg:$0x14] =	wrdreg s22  }
0x12: {  	s16 =	smul.u32 $0x50000, s8;
	s14 =	sshrl.u32 s1, $0x1;
	[dreg:$0x15] =	wrdreg s23  }
0x13: {  	s5 =	sadd.s32 s9, s5;
	s9 =	simm.s32 $0x3C0;
	[dreg:$0x16] =	wrdreg s24  }
0x14: {  	s1 =	ssub.s32 s1, s14;
	s14 =	simm.s32 $0x440;
	[dreg:$0x18] =	wrdreg s9  }
0x15: {  	s19 =	sshrl.u32 s16, $0x2;
	s16 =	simm.s32 $0x480;
	[dreg:$0x1b] =	wrdreg s14  }
0x16: {  	s28 =	simm.s32 $0x6C0;
	s1 =	smax.u32 s1, $0x1;
	[dreg:$0x1d] =	wrdreg s16  }
0x17: {  	s29 =	simm.s32 $0xE00;
	s26 =	simm.s32 $0x380;
	[smem:$0x7F0] =	sst s1  }
0x18: {  	s30 =	simm.s32 $0x700;
	s11 =	simm.s32 $0xB00;
	[dreg:$0x17] =	wrdreg s26  }
0x19: {  	s31 =	simm.s32 $0x740;
	s13 =	simm.s32 $0x400;
	[dreg:$0x19] =	wrdreg s11  }
0x1a: {  	s6 =	smul.u32 $0x500, s6;
	s15 =	simm.s32 $0xB80;
	[dreg:$0x1a] =	wrdreg s13  }
0x1b: {  	s5 =	sadd.s32 $0x1600, s5;
	s17 =	simm.s32 $0x4C0;
	[dreg:$0x1c] =	wrdreg s15  }
0x1c: {  	s14 =	simm.s32 $0x40;
	s18 =	simm.s32 $0xC00;
	[dreg:$0x1e] =	wrdreg s17  }
0x1d: {  	s16 =	simm.s32 $0x80;
	s20 =	simm.s32 $0x540;
	[dreg:$0x1f] =	wrdreg s18  }
0x1e: {  	s21 =	simm.s32 $0xC80;
	s22 =	simm.s32 $0x580;
	[smem:$0x7F7] =	sst s20  }
0x1f: {  	s23 =	simm.s32 $0x5C0;
	s24 =	simm.s32 $0xD00;
	[smem:$0x7F8] =	sst s21  }
0x20: {  	s9 =	simm.s32 $0x0;
	s7 =	sadd.s32 s2, s6;
	[smem:$0x7F9] =	sst s22  }
0x21: {  	s2 =	sadd.s32 $0xA000, s2;
	s11 =	simm.s32 $0x1000;
	[smem:$0x7FA] =	sst s23  }
0x22: {  	s13 =	simm.s32 $0x800;
	s15 =	simm.s32 $0x3000;
	[smem:$0x7FB] =	sst s24  }
0x23: {  	s17 =	simm.s32 $0x5000;
	[dreg:$0x5] =	wrdreg s7;
	s2 =	sadd.s32 s6, s2  }
0x24: {  	s18 =	simm.s32 $0x7000;
	s6 =	simm.s32 $0x140;
	[dreg:$0x6] =	wrdreg s2  }
0x25: {  	s20 =	simm.s32 $0x2;
	s7 =	simm.s32 $0x880;
	[dreg:$0x9] =	wrdreg s6  }
0x26: {  	s21 =	simm.s32 $0x3;
	[dreg:$0xa] =	wrdreg s7;
	s7 =	sadd.s32 s19, s3  }
0x27: {  	s22 =	simm.s32 $0x4;
	s19 =	simm.s32 $0x500;
	[smem:$0x7F4] =	sst s7  }
0x28: {  	s23 =	simm.s32 $0x640;
	s25 =	sadd.s32 $0x4000, s7;
	[smem:$0x7F6] =	sst s19  }
0x29: {  	s6 =	smul.u32 $0x2800, s8;
	s8 =	sadd.s32 $0x8000, s7;
	[smem:$0x7F1] =	sst s25  }
0x2a: {  	s1 =	simm.s32 $0x780;
	s10 =	sadd.s32 $0xC000, s7;
	[smem:$0x7F2] =	sst s8  }
0x2b: {  	s2 =	simm.s32 $0xE80;
	s12 =	sadd.s32 $0x10000, s7;
	[smem:$0x7F3] =	sst s10  }
0x2c: {  	s19 =	simm.s32 $0x1;
	s7 =	simm.s32 $0xF00;
	[smem:$0x7F5] =	sst s12  }
0x2d: {  	s12 =	simm.s32 $0x5;
	s25 =	simm.s32 $0x600;
	s26 =	sadd.s32 s6, s5  }
0x2e: {  	s6 =	simm.s32 $0x7C0;
	s8 =	simm.s32 $0xF80;
	[smem:$0x7FC] =	sst s25  }
0x2f: {  	v0 =	vimm.f32 $0.0e+00;
	[smem:$0x7FD] =	sst s26;
	s25 =	simm.s32 $0xD80;
	s26 =	simm.s32 $0x680  }
.LBB2_1:
0x30: {  	s10 =	simm.s32 $0x0;
	s24 =	simm.s32 $0x200  }
.LBB2_2:
0x31: {  	p0 =	sne.s32 s24, $0xFE00;
	[tilespmem:s10+$0x1070] =	vst v0  }
0x32: {  	[tilespmem:s10+$0x1000] =	vst v0  }
0x33: {  	[tilespmem:s10+$0x1010] =	vst v0  }
.Ltmp0:
0x34: {  	[tilespmem:s10+$0x1020] =	vst v0;
	(pc) =	sbr.rel @p0 .LBB2_2-.Ltmp0, $4  }
0x35: {  	[tilespmem:s10+$0x1030] =	vst v0  }
0x36: {  	[tilespmem:s10+$0x1040] =	vst v0  }
0x37: {  	[tilespmem:s10+$0x1050] =	vst v0  }
0x38: {  	[tilespmem:s10+$0x1060] =	vst v0;
	s10 =	sshra.s32 s24, $0x2;
	s24 =	sadd.s32 $0x200, s24  }
0x39: {  	[tilespmem:s10+$0x1070] =	vst v0  }
0x3a: {  	[tilespmem:s10+$0x1000] =	vst v0  }
0x3b: {  	[tilespmem:s10+$0x1010] =	vst v0  }
0x3c: {  	[tilespmem:s10+$0x1020] =	vst v0  }
0x3d: {  	[tilespmem:s10+$0x1030] =	vst v0  }
0x3e: {  	[tilespmem:s10+$0x1040] =	vst v0;
	s5 =	sld [smem:$0x7F4]  }
0x3f: {  	[tilespmem:s10+$0x1050] =	vst v0  }
0x40: {  	[smem:$0x7EF] =	sst s9;
	[tilespmem:s10+$0x1060] =	vst v0  }
0x41: {  	[spmem:s5] =	stream.linear.scatter [tilespmem:s11], [sflag:$0x5], $0x4000, $0x38;
	[tilespmem:$0x1D000] =	vst v63  }
0x42: {  	_ =	swait.ge [sflag:s12], $0x4000  }
0x43: {  	s10 =	sld [smem:$0x7F1]  }
0x44: {  	[sflag:s12] =	ssyncset.done $0x0  }
0x45: {  	[sflag:s12] =	ssyncadd.s32 $0xFFFFC000  }
0x46: {  	[spmem:s10] =	stream.linear.scatter [tilespmem:s11], [sflag:$0x5], $0x4000, $0x38;
	[tilespmem:$0x1D000] =	vst v63  }
0x47: {  	_ =	swait.ge [sflag:s12], $0x4000  }
0x48: {  	s24 =	sld [smem:$0x7F2]  }
0x49: {  	[sflag:s12] =	ssyncset.done $0x0  }
0x4a: {  	[sflag:s12] =	ssyncadd.s32 $0xFFFFC000  }
0x4b: {  	[spmem:s24] =	stream.linear.scatter [tilespmem:s11], [sflag:$0x5], $0x4000, $0x38;
	[tilespmem:$0x1D000] =	vst v63  }
0x4c: {  	_ =	swait.ge [sflag:s12], $0x4000  }
0x4d: {  	s9 =	sld [smem:$0x7F3]  }
0x4e: {  	[sflag:s12] =	ssyncset.done $0x0  }
0x4f: {  	[sflag:s12] =	ssyncadd.s32 $0xFFFFC000  }
0x50: {  	[spmem:s9] =	stream.linear.scatter [tilespmem:s11], [sflag:$0x5], $0x4000, $0x38;
	[tilespmem:$0x1D000] =	vst v63  }
0x51: {  	_ =	swait.ge [sflag:s12], $0x4000  }
0x52: {  	s10 =	sld [smem:$0x7F5]  }
0x53: {  	[sflag:s12] =	ssyncset.done $0x0  }
0x54: {  	[sflag:s12] =	ssyncadd.s32 $0xFFFFC000  }
0x55: {  	[spmem:s10] =	stream.linear.scatter [tilespmem:s11], [sflag:$0x5], $0x4000, $0x38;
	[tilespmem:$0x1D000] =	vst v63  }
0x56: {  	_ =	swait.ge [sflag:s12], $0x4000  }
0x57: {  	[sflag:s12] =	ssyncset.done $0x0  }
0x58: {  	[sflag:s12] =	ssyncadd.s32 $0xFFFFC000  }
0x59: {  	[bflag:$0x0] =	sbarrier.arrive $0xFFFF  }
0x5a: {  	s24 =	rddreg [dreg:$0x5]  }
0x5b: {  	s5 =	sadd.s32 $0x0, s24  }
0x5c: {  	[tilespmem:s4], [sflag:$0x5] =	stream.linear.gather [hbm4b:s5+s4], $0x800, $0x38;
	[tilespmem:$0x1D000] =	vst v63  }
0x5d: {  	_ =	swait.ge [sflag:s12], $0x800  }
0x5e: {  	s9 =	rddreg [dreg:$0x6];
	[sflag:s12] =	ssyncset.done $0x0  }
0x5f: {  	[sflag:s12] =	ssyncadd.s32 $0xFFFFF800;
	s5 =	sadd.s32 $0x0, s9  }
0x60: {  	[tilespmem:s13], [sflag:$0x5] =	stream.linear.gather [hbm4b:s5+s4], $0x800, $0x38;
	[tilespmem:$0x1D000] =	vst v63  }
0x61: {  	_ =	swait.ge [sflag:s12], $0x800  }
0x62: {  	[sflag:s12] =	ssyncset.done $0x0  }
0x63: {  	[sflag:s12] =	ssyncadd.s32 $0xFFFFF800  }
0x64: {  	[tilespmem:s11], [sflag:$0x1] =	stream.indirect.gather [hbm4b:s0+s14], $0x80, s4, s14, $0xb8;
	[tilespmem:$0x1D000] =	vst v63  }
0x65: {  	_ = 	snop  }
0x66: {  	[tilespmem:s15], [sflag:$0x2] =	stream.indirect.gather [hbm4b:s0+s14], $0x80, s14, s14, $0xb8;
	[tilespmem:$0x1D000] =	vst v63  }
0x67: {  	_ = 	snop  }
0x68: {  	[tilespmem:s17], [sflag:$0x3] =	stream.indirect.gather [hbm4b:s0+s14], $0x80, s16, s14, $0xb8;
	[tilespmem:$0x1D000] =	vst v63  }
0x69: {  	s10 =	rddreg [dreg:$0x7]  }
0x6a: {  	[tilespmem:s18], [sflag:$0x4] =	stream.indirect.gather [hbm4b:s0+s14], $0x80, s10, s14, $0xb8;
	[tilespmem:$0x1D000] =	vst v63  }
0x6b: {  	_ =	swait.ge [sflag:s19], $0x2000  }
0x6c: {  	[sflag:s19] =	ssyncset.done $0x0  }
0x6d: {  	[sflag:s19] =	ssyncadd.s32 $0xFFFFE000  }
0x6e: {  	_ =	swait.ge [sflag:s20], $0x2000  }
0x6f: {  	[sflag:s20] =	ssyncset.done $0x0  }
0x70: {  	[sflag:s20] =	ssyncadd.s32 $0xFFFFE000  }
0x71: {  	[spmem:s3] =	stream.indirect.scatter.add.f32 [tilespmem:s11], [sflag:$0x5], $0x80, s13, s16, $0xb8;
	[tilespmem:$0x1D000] =	vst v63  }
0x72: {  	_ =	swait.ge [sflag:s12], $0x4000  }
0x73: {  	[sflag:s12] =	ssyncset.done $0x0  }
0x74: {  	s24 =	rddreg [dreg:$0x8];
	[sflag:s12] =	ssyncadd.s32 $0xFFFFC000  }
0x75: {  	[tilespmem:s11], [sflag:$0x1] =	stream.indirect.gather [hbm4b:s0+s14], $0x80, s24, s14, $0xb8;
	[tilespmem:$0x1D000] =	vst v63  }
0x76: {  	s9 =	rddreg [dreg:$0x9]  }
0x77: {  	[tilespmem:s15], [sflag:$0x2] =	stream.indirect.gather [hbm4b:s0+s14], $0x80, s9, s14, $0xb8;
	[tilespmem:$0x1D000] =	vst v63  }
0x78: {  	_ =	swait.ge [sflag:s21], $0x2000  }
0x79: {  	[sflag:s21] =	ssyncset.done $0x0  }
0x7a: {  	[sflag:s21] =	ssyncadd.s32 $0xFFFFE000  }
0x7b: {  	_ =	swait.ge [sflag:s22], $0x2000  }
0x7c: {  	[sflag:s22] =	ssyncset.done $0x0  }
0x7d: {  	s10 =	rddreg [dreg:$0xa];
	[sflag:s22] =	ssyncadd.s32 $0xFFFFE000  }
0x7e: {  	[spmem:s3] =	stream.indirect.scatter.add.f32 [tilespmem:s17], [sflag:$0x5], $0x80, s10, s16, $0xb8;
	[tilespmem:$0x1D000] =	vst v63  }
0x7f: {  	_ =	swait.ge [sflag:s12], $0x4000  }
0x80: {  	[sflag:s12] =	ssyncset.done $0x0  }
0x81: {  	s24 =	rddreg [dreg:$0xb];
	[sflag:s12] =	ssyncadd.s32 $0xFFFFC000  }
0x82: {  	[tilespmem:s17], [sflag:$0x3] =	stream.indirect.gather [hbm4b:s0+s14], $0x80, s24, s14, $0xb8;
	[tilespmem:$0x1D000] =	vst v63  }
0x83: {  	s9 =	rddreg [dreg:$0xc]  }
0x84: {  	[tilespmem:s18], [sflag:$0x4] =	stream.indirect.gather [hbm4b:s0+s14], $0x80, s9, s14, $0xb8;
	[tilespmem:$0x1D000] =	vst v63  }
0x85: {  	_ =	swait.ge [sflag:s19], $0x2000  }
0x86: {  	[sflag:s19] =	ssyncset.done $0x0  }
0x87: {  	[sflag:s19] =	ssyncadd.s32 $0xFFFFE000  }
0x88: {  	_ =	swait.ge [sflag:s20], $0x2000  }
0x89: {  	[sflag:s20] =	ssyncset.done $0x0  }
0x8a: {  	s10 =	rddreg [dreg:$0xd];
	[sflag:s20] =	ssyncadd.s32 $0xFFFFE000  }
0x8b: {  	[spmem:s3] =	stream.indirect.scatter.add.f32 [tilespmem:s11], [sflag:$0x5], $0x80, s10, s16, $0xb8;
	[tilespmem:$0x1D000] =	vst v63  }
0x8c: {  	_ =	swait.ge [sflag:s12], $0x4000  }
0x8d: {  	[sflag:s12] =	ssyncset.done $0x0  }
0x8e: {  	s24 =	rddreg [dreg:$0xe];
	[sflag:s12] =	ssyncadd.s32 $0xFFFFC000  }
0x8f: {  	[tilespmem:s11], [sflag:$0x1] =	stream.indirect.gather [hbm4b:s0+s14], $0x80, s24, s14, $0xb8;
	[tilespmem:$0x1D000] =	vst v63  }
0x90: {  	s9 =	rddreg [dreg:$0xf]  }
0x91: {  	[tilespmem:s15], [sflag:$0x2] =	stream.indirect.gather [hbm4b:s0+s14], $0x80, s9, s14, $0xb8;
	[tilespmem:$0x1D000] =	vst v63  }
0x92: {  	_ =	swait.ge [sflag:s21], $0x2000  }
0x93: {  	[sflag:s21] =	ssyncset.done $0x0  }
0x94: {  	[sflag:s21] =	ssyncadd.s32 $0xFFFFE000  }
0x95: {  	_ =	swait.ge [sflag:s22], $0x2000  }
0x96: {  	[sflag:s22] =	ssyncset.done $0x0  }
0x97: {  	s10 =	rddreg [dreg:$0x10];
	[sflag:s22] =	ssyncadd.s32 $0xFFFFE000  }
0x98: {  	[spmem:s3] =	stream.indirect.scatter.add.f32 [tilespmem:s17], [sflag:$0x5], $0x80, s10, s16, $0xb8;
	[tilespmem:$0x1D000] =	vst v63  }
0x99: {  	_ =	swait.ge [sflag:s12], $0x4000  }
0x9a: {  	[sflag:s12] =	ssyncset.done $0x0  }
0x9b: {  	s24 =	rddreg [dreg:$0x11];
	[sflag:s12] =	ssyncadd.s32 $0xFFFFC000  }
0x9c: {  	[tilespmem:s17], [sflag:$0x3] =	stream.indirect.gather [hbm4b:s0+s14], $0x80, s24, s14, $0xb8;
	[tilespmem:$0x1D000] =	vst v63  }
0x9d: {  	s9 =	rddreg [dreg:$0x12]  }
0x9e: {  	[tilespmem:s18], [sflag:$0x4] =	stream.indirect.gather [hbm4b:s0+s14], $0x80, s9, s14, $0xb8;
	[tilespmem:$0x1D000] =	vst v63  }
0x9f: {  	_ =	swait.ge [sflag:s19], $0x2000  }
0xa0: {  	[sflag:s19] =	ssyncset.done $0x0  }
0xa1: {  	[sflag:s19] =	ssyncadd.s32 $0xFFFFE000  }
0xa2: {  	_ =	swait.ge [sflag:s20], $0x2000  }
0xa3: {  	[sflag:s20] =	ssyncset.done $0x0  }
0xa4: {  	s10 =	rddreg [dreg:$0x13];
	[sflag:s20] =	ssyncadd.s32 $0xFFFFE000  }
0xa5: {  	[spmem:s3] =	stream.indirect.scatter.add.f32 [tilespmem:s11], [sflag:$0x5], $0x80, s10, s16, $0xb8;
	[tilespmem:$0x1D000] =	vst v63  }
0xa6: {  	_ =	swait.ge [sflag:s12], $0x4000  }
0xa7: {  	[sflag:s12] =	ssyncset.done $0x0  }
0xa8: {  	s24 =	rddreg [dreg:$0x14];
	[sflag:s12] =	ssyncadd.s32 $0xFFFFC000  }
0xa9: {  	[tilespmem:s11], [sflag:$0x1] =	stream.indirect.gather [hbm4b:s0+s14], $0x80, s24, s14, $0xb8;
	[tilespmem:$0x1D000] =	vst v63  }
0xaa: {  	s9 =	rddreg [dreg:$0x15]  }
0xab: {  	[tilespmem:s15], [sflag:$0x2] =	stream.indirect.gather [hbm4b:s0+s14], $0x80, s9, s14, $0xb8;
	[tilespmem:$0x1D000] =	vst v63  }
0xac: {  	_ =	swait.ge [sflag:s21], $0x2000  }
0xad: {  	[sflag:s21] =	ssyncset.done $0x0  }
0xae: {  	[sflag:s21] =	ssyncadd.s32 $0xFFFFE000  }
0xaf: {  	_ =	swait.ge [sflag:s22], $0x2000  }
0xb0: {  	[sflag:s22] =	ssyncset.done $0x0  }
0xb1: {  	s10 =	rddreg [dreg:$0x16];
	[sflag:s22] =	ssyncadd.s32 $0xFFFFE000  }
0xb2: {  	[spmem:s3] =	stream.indirect.scatter.add.f32 [tilespmem:s17], [sflag:$0x5], $0x80, s10, s16, $0xb8;
	[tilespmem:$0x1D000] =	vst v63  }
0xb3: {  	_ =	swait.ge [sflag:s12], $0x4000  }
0xb4: {  	[sflag:s12] =	ssyncset.done $0x0  }
0xb5: {  	s24 =	rddreg [dreg:$0x17];
	[sflag:s12] =	ssyncadd.s32 $0xFFFFC000  }
0xb6: {  	[tilespmem:s17], [sflag:$0x3] =	stream.indirect.gather [hbm4b:s0+s14], $0x80, s24, s14, $0xb8;
	[tilespmem:$0x1D000] =	vst v63  }
0xb7: {  	s9 =	rddreg [dreg:$0x18]  }
0xb8: {  	[tilespmem:s18], [sflag:$0x4] =	stream.indirect.gather [hbm4b:s0+s14], $0x80, s9, s14, $0xb8;
	[tilespmem:$0x1D000] =	vst v63  }
0xb9: {  	_ =	swait.ge [sflag:s19], $0x2000  }
0xba: {  	[sflag:s19] =	ssyncset.done $0x0  }
0xbb: {  	[sflag:s19] =	ssyncadd.s32 $0xFFFFE000  }
0xbc: {  	_ =	swait.ge [sflag:s20], $0x2000  }
0xbd: {  	[sflag:s20] =	ssyncset.done $0x0  }
0xbe: {  	s10 =	rddreg [dreg:$0x19];
	[sflag:s20] =	ssyncadd.s32 $0xFFFFE000  }
0xbf: {  	[spmem:s3] =	stream.indirect.scatter.add.f32 [tilespmem:s11], [sflag:$0x5], $0x80, s10, s16, $0xb8;
	[tilespmem:$0x1D000] =	vst v63  }
0xc0: {  	_ =	swait.ge [sflag:s12], $0x4000  }
0xc1: {  	[sflag:s12] =	ssyncset.done $0x0  }
0xc2: {  	s24 =	rddreg [dreg:$0x1a];
	[sflag:s12] =	ssyncadd.s32 $0xFFFFC000  }
0xc3: {  	[tilespmem:s11], [sflag:$0x1] =	stream.indirect.gather [hbm4b:s0+s14], $0x80, s24, s14, $0xb8;
	[tilespmem:$0x1D000] =	vst v63  }
0xc4: {  	s9 =	rddreg [dreg:$0x1b]  }
0xc5: {  	[tilespmem:s15], [sflag:$0x2] =	stream.indirect.gather [hbm4b:s0+s14], $0x80, s9, s14, $0xb8;
	[tilespmem:$0x1D000] =	vst v63  }
0xc6: {  	_ =	swait.ge [sflag:s21], $0x2000  }
0xc7: {  	[sflag:s21] =	ssyncset.done $0x0  }
0xc8: {  	[sflag:s21] =	ssyncadd.s32 $0xFFFFE000  }
0xc9: {  	_ =	swait.ge [sflag:s22], $0x2000  }
0xca: {  	[sflag:s22] =	ssyncset.done $0x0  }
0xcb: {  	s10 =	rddreg [dreg:$0x1c];
	[sflag:s22] =	ssyncadd.s32 $0xFFFFE000  }
0xcc: {  	[spmem:s3] =	stream.indirect.scatter.add.f32 [tilespmem:s17], [sflag:$0x5], $0x80, s10, s16, $0xb8;
	[tilespmem:$0x1D000] =	vst v63  }
0xcd: {  	_ =	swait.ge [sflag:s12], $0x4000  }
0xce: {  	[sflag:s12] =	ssyncset.done $0x0  }
0xcf: {  	s24 =	rddreg [dreg:$0x1d];
	[sflag:s12] =	ssyncadd.s32 $0xFFFFC000  }
0xd0: {  	[tilespmem:s17], [sflag:$0x3] =	stream.indirect.gather [hbm4b:s0+s14], $0x80, s24, s14, $0xb8;
	[tilespmem:$0x1D000] =	vst v63  }
0xd1: {  	s9 =	rddreg [dreg:$0x1e]  }
0xd2: {  	[tilespmem:s18], [sflag:$0x4] =	stream.indirect.gather [hbm4b:s0+s14], $0x80, s9, s14, $0xb8;
	[tilespmem:$0x1D000] =	vst v63  }
0xd3: {  	_ =	swait.ge [sflag:s19], $0x2000  }
0xd4: {  	[sflag:s19] =	ssyncset.done $0x0  }
0xd5: {  	[sflag:s19] =	ssyncadd.s32 $0xFFFFE000  }
0xd6: {  	_ =	swait.ge [sflag:s20], $0x2000  }
0xd7: {  	[sflag:s20] =	ssyncset.done $0x0  }
0xd8: {  	s10 =	rddreg [dreg:$0x1f];
	[sflag:s20] =	ssyncadd.s32 $0xFFFFE000  }
0xd9: {  	[spmem:s3] =	stream.indirect.scatter.add.f32 [tilespmem:s11], [sflag:$0x5], $0x80, s10, s16, $0xb8;
	[tilespmem:$0x1D000] =	vst v63  }
0xda: {  	_ =	swait.ge [sflag:s12], $0x4000  }
0xdb: {  	s24 =	sld [smem:$0x7F6]  }
0xdc: {  	[sflag:s12] =	ssyncset.done $0x0  }
0xdd: {  	s9 =	sld [smem:$0x7F7];
	[sflag:s12] =	ssyncadd.s32 $0xFFFFC000  }
0xde: {  	[tilespmem:s11], [sflag:$0x1] =	stream.indirect.gather [hbm4b:s0+s14], $0x80, s24, s14, $0xb8;
	[tilespmem:$0x1D000] =	vst v63  }
0xdf: {  	_ = 	snop  }
0xe0: {  	[tilespmem:s15], [sflag:$0x2] =	stream.indirect.gather [hbm4b:s0+s14], $0x80, s9, s14, $0xb8;
	[tilespmem:$0x1D000] =	vst v63  }
0xe1: {  	_ =	swait.ge [sflag:s21], $0x2000  }
0xe2: {  	[sflag:s21] =	ssyncset.done $0x0  }
0xe3: {  	[sflag:s21] =	ssyncadd.s32 $0xFFFFE000  }
0xe4: {  	_ =	swait.ge [sflag:s22], $0x2000  }
0xe5: {  	s10 =	sld [smem:$0x7F8]  }
0xe6: {  	[sflag:s22] =	ssyncset.done $0x0  }
0xe7: {  	[sflag:s22] =	ssyncadd.s32 $0xFFFFE000  }
0xe8: {  	[spmem:s3] =	stream.indirect.scatter.add.f32 [tilespmem:s17], [sflag:$0x5], $0x80, s10, s16, $0xb8;
	[tilespmem:$0x1D000] =	vst v63  }
0xe9: {  	_ =	swait.ge [sflag:s12], $0x4000  }
0xea: {  	s24 =	sld [smem:$0x7F9]  }
0xeb: {  	[sflag:s12] =	ssyncset.done $0x0  }
0xec: {  	s9 =	sld [smem:$0x7FA];
	[sflag:s12] =	ssyncadd.s32 $0xFFFFC000  }
0xed: {  	[tilespmem:s17], [sflag:$0x3] =	stream.indirect.gather [hbm4b:s0+s14], $0x80, s24, s14, $0xb8;
	[tilespmem:$0x1D000] =	vst v63  }
0xee: {  	_ = 	snop  }
0xef: {  	[tilespmem:s18], [sflag:$0x4] =	stream.indirect.gather [hbm4b:s0+s14], $0x80, s9, s14, $0xb8;
	[tilespmem:$0x1D000] =	vst v63  }
0xf0: {  	_ =	swait.ge [sflag:s19], $0x2000  }
0xf1: {  	[sflag:s19] =	ssyncset.done $0x0  }
0xf2: {  	[sflag:s19] =	ssyncadd.s32 $0xFFFFE000  }
0xf3: {  	_ =	swait.ge [sflag:s20], $0x2000  }
0xf4: {  	s10 =	sld [smem:$0x7FB]  }
0xf5: {  	[sflag:s20] =	ssyncset.done $0x0  }
0xf6: {  	[sflag:s20] =	ssyncadd.s32 $0xFFFFE000  }
0xf7: {  	[spmem:s3] =	stream.indirect.scatter.add.f32 [tilespmem:s11], [sflag:$0x5], $0x80, s10, s16, $0xb8;
	[tilespmem:$0x1D000] =	vst v63  }
0xf8: {  	_ =	swait.ge [sflag:s12], $0x4000  }
0xf9: {  	s24 =	sld [smem:$0x7FC]  }
0xfa: {  	[sflag:s12] =	ssyncset.done $0x0  }
0xfb: {  	[sflag:s12] =	ssyncadd.s32 $0xFFFFC000  }
0xfc: {  	[tilespmem:s11], [sflag:$0x1] =	stream.indirect.gather [hbm4b:s0+s14], $0x80, s24, s14, $0xb8;
	[tilespmem:$0x1D000] =	vst v63  }
0xfd: {  	_ = 	snop  }
0xfe: {  	[tilespmem:s15], [sflag:$0x2] =	stream.indirect.gather [hbm4b:s0+s14], $0x80, s23, s14, $0xb8;
	[tilespmem:$0x1D000] =	vst v63  }
0xff: {  	_ =	swait.ge [sflag:s21], $0x2000  }
0x100: {  	[sflag:s21] =	ssyncset.done $0x0  }
0x101: {  	[sflag:s21] =	ssyncadd.s32 $0xFFFFE000  }
0x102: {  	_ =	swait.ge [sflag:s22], $0x2000  }
0x103: {  	[sflag:s22] =	ssyncset.done $0x0  }
0x104: {  	[sflag:s22] =	ssyncadd.s32 $0xFFFFE000  }
0x105: {  	[spmem:s3] =	stream.indirect.scatter.add.f32 [tilespmem:s17], [sflag:$0x5], $0x80, s25, s16, $0xb8;
	[tilespmem:$0x1D000] =	vst v63  }
0x106: {  	_ =	swait.ge [sflag:s12], $0x4000  }
0x107: {  	[sflag:s12] =	ssyncset.done $0x0  }
0x108: {  	[sflag:s12] =	ssyncadd.s32 $0xFFFFC000  }
0x109: {  	[tilespmem:s17], [sflag:$0x3] =	stream.indirect.gather [hbm4b:s0+s14], $0x80, s26, s14, $0xb8;
	[tilespmem:$0x1D000] =	vst v63  }
0x10a: {  	_ = 	snop  }
0x10b: {  	[tilespmem:s18], [sflag:$0x4] =	stream.indirect.gather [hbm4b:s0+s14], $0x80, s28, s14, $0xb8;
	[tilespmem:$0x1D000] =	vst v63  }
0x10c: {  	_ =	swait.ge [sflag:s19], $0x2000  }
0x10d: {  	[sflag:s19] =	ssyncset.done $0x0  }
0x10e: {  	[sflag:s19] =	ssyncadd.s32 $0xFFFFE000  }
0x10f: {  	_ =	swait.ge [sflag:s20], $0x2000  }
0x110: {  	[sflag:s20] =	ssyncset.done $0x0  }
0x111: {  	[sflag:s20] =	ssyncadd.s32 $0xFFFFE000  }
0x112: {  	[spmem:s3] =	stream.indirect.scatter.add.f32 [tilespmem:s11], [sflag:$0x5], $0x80, s29, s16, $0xb8;
	[tilespmem:$0x1D000] =	vst v63  }
0x113: {  	_ =	swait.ge [sflag:s12], $0x4000  }
0x114: {  	[sflag:s12] =	ssyncset.done $0x0  }
0x115: {  	[sflag:s12] =	ssyncadd.s32 $0xFFFFC000  }
0x116: {  	[tilespmem:s11], [sflag:$0x1] =	stream.indirect.gather [hbm4b:s0+s14], $0x80, s30, s14, $0xb8;
	[tilespmem:$0x1D000] =	vst v63  }
0x117: {  	_ = 	snop  }
0x118: {  	[tilespmem:s15], [sflag:$0x2] =	stream.indirect.gather [hbm4b:s0+s14], $0x80, s31, s14, $0xb8;
	[tilespmem:$0x1D000] =	vst v63  }
0x119: {  	_ =	swait.ge [sflag:s21], $0x2000  }
0x11a: {  	[sflag:s21] =	ssyncset.done $0x0  }
0x11b: {  	[sflag:s21] =	ssyncadd.s32 $0xFFFFE000  }
0x11c: {  	_ =	swait.ge [sflag:s22], $0x2000  }
0x11d: {  	[sflag:s22] =	ssyncset.done $0x0  }
0x11e: {  	[sflag:s22] =	ssyncadd.s32 $0xFFFFE000  }
0x11f: {  	[spmem:s3] =	stream.indirect.scatter.add.f32 [tilespmem:s17], [sflag:$0x5], $0x80, s2, s16, $0xb8;
	[tilespmem:$0x1D000] =	vst v63  }
0x120: {  	_ =	swait.ge [sflag:s12], $0x4000  }
0x121: {  	[sflag:s12] =	ssyncset.done $0x0  }
0x122: {  	[sflag:s12] =	ssyncadd.s32 $0xFFFFC000  }
0x123: {  	[tilespmem:s17], [sflag:$0x3] =	stream.indirect.gather [hbm4b:s0+s14], $0x80, s1, s14, $0xb8;
	[tilespmem:$0x1D000] =	vst v63  }
0x124: {  	_ = 	snop  }
0x125: {  	[tilespmem:s18], [sflag:$0x4] =	stream.indirect.gather [hbm4b:s0+s14], $0x80, s6, s14, $0xb8;
	[tilespmem:$0x1D000] =	vst v63  }
0x126: {  	_ =	swait.ge [sflag:s19], $0x2000  }
0x127: {  	[sflag:s19] =	ssyncset.done $0x0  }
0x128: {  	[sflag:s19] =	ssyncadd.s32 $0xFFFFE000  }
0x129: {  	_ =	swait.ge [sflag:s20], $0x2000  }
0x12a: {  	[sflag:s20] =	ssyncset.done $0x0  }
0x12b: {  	[sflag:s20] =	ssyncadd.s32 $0xFFFFE000  }
0x12c: {  	[spmem:s3] =	stream.indirect.scatter.add.f32 [tilespmem:s11], [sflag:$0x5], $0x80, s7, s16, $0xb8;
	[tilespmem:$0x1D000] =	vst v63  }
0x12d: {  	_ =	swait.ge [sflag:s12], $0x4000  }
0x12e: {  	[sflag:s12] =	ssyncset.done $0x0  }
0x12f: {  	[sflag:s12] =	ssyncadd.s32 $0xFFFFC000  }
0x130: {  	_ =	swait.ge [sflag:s21], $0x2000  }
0x131: {  	[sflag:s21] =	ssyncset.done $0x0  }
0x132: {  	[sflag:s21] =	ssyncadd.s32 $0xFFFFE000  }
0x133: {  	_ =	swait.ge [sflag:s22], $0x2000  }
0x134: {  	[sflag:s22] =	ssyncset.done $0x0  }
0x135: {  	[sflag:s22] =	ssyncadd.s32 $0xFFFFE000  }
0x136: {  	[spmem:s3] =	stream.indirect.scatter.add.f32 [tilespmem:s17], [sflag:$0x5], $0x80, s8, s16, $0xb8;
	[tilespmem:$0x1D000] =	vst v63  }
0x137: {  	s10 =	simm.s32 $0x100;
	_ =	swait.ge [sflag:s12], $0x4000  }
0x138: {  	s24 =	simm.s32 $0x200;
	s5 =	rddreg [dreg:$0x5];
	[sflag:s12] =	ssyncset.done $0x0  }
.LBB2_4:
0x139: {  	[sflag:s12] =	ssyncadd.s32 $0xFFFFC000;
	s5 =	sadd.s32 s10, s5  }
0x13a: {  	[tilespmem:s4], [sflag:$0x5] =	stream.linear.gather [hbm4b:s5+s4], $0x800, $0x38;
	[tilespmem:$0x1D000] =	vst v63  }
0x13b: {  	_ =	swait.ge [sflag:s12], $0x800  }
0x13c: {  	s5 =	rddreg [dreg:$0x6];
	[sflag:s12] =	ssyncset.done $0x0  }
0x13d: {  	[sflag:s12] =	ssyncadd.s32 $0xFFFFF800;
	s5 =	sadd.s32 s10, s5  }
0x13e: {  	[tilespmem:s13], [sflag:$0x5] =	stream.linear.gather [hbm4b:s5+s4], $0x800, $0x38;
	[tilespmem:$0x1D000] =	vst v63  }
0x13f: {  	_ =	swait.ge [sflag:s12], $0x800  }
0x140: {  	[sflag:s12] =	ssyncset.done $0x0  }
0x141: {  	[sflag:s12] =	ssyncadd.s32 $0xFFFFF800  }
0x142: {  	[tilespmem:s11], [sflag:$0x1] =	stream.indirect.gather [hbm4b:s0+s14], $0x80, s4, s14, $0xb8;
	[tilespmem:$0x1D000] =	vst v63  }
0x143: {  	_ = 	snop  }
0x144: {  	[tilespmem:s15], [sflag:$0x2] =	stream.indirect.gather [hbm4b:s0+s14], $0x80, s14, s14, $0xb8;
	[tilespmem:$0x1D000] =	vst v63  }
0x145: {  	s9 =	smov.u32 s24  }
0x146: {  	[tilespmem:s17], [sflag:$0x3] =	stream.indirect.gather [hbm4b:s0+s14], $0x80, s16, s14, $0xb8;
	[tilespmem:$0x1D000] =	vst v63  }
0x147: {  	s10 =	smov.u32 s9;
	s9 =	rddreg [dreg:$0x7]  }
0x148: {  	[tilespmem:s18], [sflag:$0x4] =	stream.indirect.gather [hbm4b:s0+s14], $0x80, s9, s14, $0xb8;
	[tilespmem:$0x1D000] =	vst v63  }
0x149: {  	_ =	swait.ge [sflag:s19], $0x2000  }
0x14a: {  	[sflag:s19] =	ssyncset.done $0x0  }
0x14b: {  	[sflag:s19] =	ssyncadd.s32 $0xFFFFE000  }
0x14c: {  	_ =	swait.ge [sflag:s20], $0x2000  }
0x14d: {  	[sflag:s20] =	ssyncset.done $0x0  }
0x14e: {  	[sflag:s20] =	ssyncadd.s32 $0xFFFFE000  }
0x14f: {  	[spmem:s3] =	stream.indirect.scatter.add.f32 [tilespmem:s11], [sflag:$0x5], $0x80, s13, s16, $0xb8;
	[tilespmem:$0x1D000] =	vst v63  }
0x150: {  	_ =	swait.ge [sflag:s12], $0x4000  }
0x151: {  	[sflag:s12] =	ssyncset.done $0x0  }
0x152: {  	s5 =	rddreg [dreg:$0x8];
	[sflag:s12] =	ssyncadd.s32 $0xFFFFC000  }
0x153: {  	[tilespmem:s11], [sflag:$0x1] =	stream.indirect.gather [hbm4b:s0+s14], $0x80, s5, s14, $0xb8;
	[tilespmem:$0x1D000] =	vst v63  }
0x154: {  	s9 =	rddreg [dreg:$0x9]  }
0x155: {  	[tilespmem:s15], [sflag:$0x2] =	stream.indirect.gather [hbm4b:s0+s14], $0x80, s9, s14, $0xb8;
	[tilespmem:$0x1D000] =	vst v63  }
0x156: {  	_ =	swait.ge [sflag:s21], $0x2000  }
0x157: {  	[sflag:s21] =	ssyncset.done $0x0  }
0x158: {  	[sflag:s21] =	ssyncadd.s32 $0xFFFFE000  }
0x159: {  	_ =	swait.ge [sflag:s22], $0x2000  }
0x15a: {  	[sflag:s22] =	ssyncset.done $0x0  }
0x15b: {  	s9 =	rddreg [dreg:$0xa];
	[sflag:s22] =	ssyncadd.s32 $0xFFFFE000  }
0x15c: {  	[spmem:s3] =	stream.indirect.scatter.add.f32 [tilespmem:s17], [sflag:$0x5], $0x80, s9, s16, $0xb8;
	[tilespmem:$0x1D000] =	vst v63  }
0x15d: {  	_ =	swait.ge [sflag:s12], $0x4000  }
0x15e: {  	[sflag:s12] =	ssyncset.done $0x0  }
0x15f: {  	s5 =	rddreg [dreg:$0xb];
	[sflag:s12] =	ssyncadd.s32 $0xFFFFC000  }
0x160: {  	[tilespmem:s17], [sflag:$0x3] =	stream.indirect.gather [hbm4b:s0+s14], $0x80, s5, s14, $0xb8;
	[tilespmem:$0x1D000] =	vst v63  }
0x161: {  	s9 =	rddreg [dreg:$0xc]  }
0x162: {  	[tilespmem:s18], [sflag:$0x4] =	stream.indirect.gather [hbm4b:s0+s14], $0x80, s9, s14, $0xb8;
	[tilespmem:$0x1D000] =	vst v63  }
0x163: {  	_ =	swait.ge [sflag:s19], $0x2000  }
0x164: {  	[sflag:s19] =	ssyncset.done $0x0  }
0x165: {  	[sflag:s19] =	ssyncadd.s32 $0xFFFFE000  }
0x166: {  	_ =	swait.ge [sflag:s20], $0x2000  }
0x167: {  	[sflag:s20] =	ssyncset.done $0x0  }
0x168: {  	s9 =	rddreg [dreg:$0xd];
	[sflag:s20] =	ssyncadd.s32 $0xFFFFE000  }
0x169: {  	[spmem:s3] =	stream.indirect.scatter.add.f32 [tilespmem:s11], [sflag:$0x5], $0x80, s9, s16, $0xb8;
	[tilespmem:$0x1D000] =	vst v63  }
0x16a: {  	_ =	swait.ge [sflag:s12], $0x4000  }
0x16b: {  	[sflag:s12] =	ssyncset.done $0x0  }
0x16c: {  	s5 =	rddreg [dreg:$0xe];
	[sflag:s12] =	ssyncadd.s32 $0xFFFFC000  }
0x16d: {  	[tilespmem:s11], [sflag:$0x1] =	stream.indirect.gather [hbm4b:s0+s14], $0x80, s5, s14, $0xb8;
	[tilespmem:$0x1D000] =	vst v63  }
0x16e: {  	s9 =	rddreg [dreg:$0xf]  }
0x16f: {  	[tilespmem:s15], [sflag:$0x2] =	stream.indirect.gather [hbm4b:s0+s14], $0x80, s9, s14, $0xb8;
	[tilespmem:$0x1D000] =	vst v63  }
0x170: {  	_ =	swait.ge [sflag:s21], $0x2000  }
0x171: {  	[sflag:s21] =	ssyncset.done $0x0  }
0x172: {  	[sflag:s21] =	ssyncadd.s32 $0xFFFFE000  }
0x173: {  	_ =	swait.ge [sflag:s22], $0x2000  }
0x174: {  	[sflag:s22] =	ssyncset.done $0x0  }
0x175: {  	s9 =	rddreg [dreg:$0x10];
	[sflag:s22] =	ssyncadd.s32 $0xFFFFE000  }
0x176: {  	[spmem:s3] =	stream.indirect.scatter.add.f32 [tilespmem:s17], [sflag:$0x5], $0x80, s9, s16, $0xb8;
	[tilespmem:$0x1D000] =	vst v63  }
0x177: {  	_ =	swait.ge [sflag:s12], $0x4000  }
0x178: {  	[sflag:s12] =	ssyncset.done $0x0  }
0x179: {  	s5 =	rddreg [dreg:$0x11];
	[sflag:s12] =	ssyncadd.s32 $0xFFFFC000  }
0x17a: {  	[tilespmem:s17], [sflag:$0x3] =	stream.indirect.gather [hbm4b:s0+s14], $0x80, s5, s14, $0xb8;
	[tilespmem:$0x1D000] =	vst v63  }
0x17b: {  	s9 =	rddreg [dreg:$0x12]  }
0x17c: {  	[tilespmem:s18], [sflag:$0x4] =	stream.indirect.gather [hbm4b:s0+s14], $0x80, s9, s14, $0xb8;
	[tilespmem:$0x1D000] =	vst v63  }
0x17d: {  	_ =	swait.ge [sflag:s19], $0x2000  }
0x17e: {  	[sflag:s19] =	ssyncset.done $0x0  }
0x17f: {  	[sflag:s19] =	ssyncadd.s32 $0xFFFFE000  }
0x180: {  	_ =	swait.ge [sflag:s20], $0x2000  }
0x181: {  	[sflag:s20] =	ssyncset.done $0x0  }
0x182: {  	s9 =	rddreg [dreg:$0x13];
	[sflag:s20] =	ssyncadd.s32 $0xFFFFE000  }
0x183: {  	[spmem:s3] =	stream.indirect.scatter.add.f32 [tilespmem:s11], [sflag:$0x5], $0x80, s9, s16, $0xb8;
	[tilespmem:$0x1D000] =	vst v63  }
0x184: {  	_ =	swait.ge [sflag:s12], $0x4000  }
0x185: {  	[sflag:s12] =	ssyncset.done $0x0  }
0x186: {  	s5 =	rddreg [dreg:$0x14];
	[sflag:s12] =	ssyncadd.s32 $0xFFFFC000  }
0x187: {  	[tilespmem:s11], [sflag:$0x1] =	stream.indirect.gather [hbm4b:s0+s14], $0x80, s5, s14, $0xb8;
	[tilespmem:$0x1D000] =	vst v63  }
0x188: {  	s9 =	rddreg [dreg:$0x15]  }
0x189: {  	[tilespmem:s15], [sflag:$0x2] =	stream.indirect.gather [hbm4b:s0+s14], $0x80, s9, s14, $0xb8;
	[tilespmem:$0x1D000] =	vst v63  }
0x18a: {  	_ =	swait.ge [sflag:s21], $0x2000  }
0x18b: {  	[sflag:s21] =	ssyncset.done $0x0  }
0x18c: {  	[sflag:s21] =	ssyncadd.s32 $0xFFFFE000  }
0x18d: {  	_ =	swait.ge [sflag:s22], $0x2000  }
0x18e: {  	[sflag:s22] =	ssyncset.done $0x0  }
0x18f: {  	s9 =	rddreg [dreg:$0x16];
	[sflag:s22] =	ssyncadd.s32 $0xFFFFE000  }
0x190: {  	[spmem:s3] =	stream.indirect.scatter.add.f32 [tilespmem:s17], [sflag:$0x5], $0x80, s9, s16, $0xb8;
	[tilespmem:$0x1D000] =	vst v63  }
0x191: {  	_ =	swait.ge [sflag:s12], $0x4000  }
0x192: {  	[sflag:s12] =	ssyncset.done $0x0  }
0x193: {  	s5 =	rddreg [dreg:$0x17];
	[sflag:s12] =	ssyncadd.s32 $0xFFFFC000  }
0x194: {  	[tilespmem:s17], [sflag:$0x3] =	stream.indirect.gather [hbm4b:s0+s14], $0x80, s5, s14, $0xb8;
	[tilespmem:$0x1D000] =	vst v63  }
0x195: {  	s9 =	rddreg [dreg:$0x18]  }
0x196: {  	[tilespmem:s18], [sflag:$0x4] =	stream.indirect.gather [hbm4b:s0+s14], $0x80, s9, s14, $0xb8;
	[tilespmem:$0x1D000] =	vst v63  }
0x197: {  	_ =	swait.ge [sflag:s19], $0x2000  }
0x198: {  	[sflag:s19] =	ssyncset.done $0x0  }
0x199: {  	[sflag:s19] =	ssyncadd.s32 $0xFFFFE000  }
0x19a: {  	_ =	swait.ge [sflag:s20], $0x2000  }
0x19b: {  	[sflag:s20] =	ssyncset.done $0x0  }
0x19c: {  	s9 =	rddreg [dreg:$0x19];
	[sflag:s20] =	ssyncadd.s32 $0xFFFFE000  }
0x19d: {  	[spmem:s3] =	stream.indirect.scatter.add.f32 [tilespmem:s11], [sflag:$0x5], $0x80, s9, s16, $0xb8;
	[tilespmem:$0x1D000] =	vst v63  }
0x19e: {  	_ =	swait.ge [sflag:s12], $0x4000  }
0x19f: {  	[sflag:s12] =	ssyncset.done $0x0  }
0x1a0: {  	s5 =	rddreg [dreg:$0x1a];
	[sflag:s12] =	ssyncadd.s32 $0xFFFFC000  }
0x1a1: {  	[tilespmem:s11], [sflag:$0x1] =	stream.indirect.gather [hbm4b:s0+s14], $0x80, s5, s14, $0xb8;
	[tilespmem:$0x1D000] =	vst v63  }
0x1a2: {  	s9 =	rddreg [dreg:$0x1b]  }
0x1a3: {  	[tilespmem:s15], [sflag:$0x2] =	stream.indirect.gather [hbm4b:s0+s14], $0x80, s9, s14, $0xb8;
	[tilespmem:$0x1D000] =	vst v63  }
0x1a4: {  	_ =	swait.ge [sflag:s21], $0x2000  }
0x1a5: {  	[sflag:s21] =	ssyncset.done $0x0  }
0x1a6: {  	[sflag:s21] =	ssyncadd.s32 $0xFFFFE000  }
0x1a7: {  	_ =	swait.ge [sflag:s22], $0x2000  }
0x1a8: {  	[sflag:s22] =	ssyncset.done $0x0  }
0x1a9: {  	s9 =	rddreg [dreg:$0x1c];
	[sflag:s22] =	ssyncadd.s32 $0xFFFFE000  }
0x1aa: {  	[spmem:s3] =	stream.indirect.scatter.add.f32 [tilespmem:s17], [sflag:$0x5], $0x80, s9, s16, $0xb8;
	[tilespmem:$0x1D000] =	vst v63  }
0x1ab: {  	_ =	swait.ge [sflag:s12], $0x4000  }
0x1ac: {  	[sflag:s12] =	ssyncset.done $0x0  }
0x1ad: {  	s5 =	rddreg [dreg:$0x1d];
	[sflag:s12] =	ssyncadd.s32 $0xFFFFC000  }
0x1ae: {  	[tilespmem:s17], [sflag:$0x3] =	stream.indirect.gather [hbm4b:s0+s14], $0x80, s5, s14, $0xb8;
	[tilespmem:$0x1D000] =	vst v63  }
0x1af: {  	s9 =	rddreg [dreg:$0x1e]  }
0x1b0: {  	[tilespmem:s18], [sflag:$0x4] =	stream.indirect.gather [hbm4b:s0+s14], $0x80, s9, s14, $0xb8;
	[tilespmem:$0x1D000] =	vst v63  }
0x1b1: {  	_ =	swait.ge [sflag:s19], $0x2000  }
0x1b2: {  	[sflag:s19] =	ssyncset.done $0x0  }
0x1b3: {  	[sflag:s19] =	ssyncadd.s32 $0xFFFFE000  }
0x1b4: {  	_ =	swait.ge [sflag:s20], $0x2000  }
0x1b5: {  	[sflag:s20] =	ssyncset.done $0x0  }
0x1b6: {  	s9 =	rddreg [dreg:$0x1f];
	[sflag:s20] =	ssyncadd.s32 $0xFFFFE000  }
0x1b7: {  	[spmem:s3] =	stream.indirect.scatter.add.f32 [tilespmem:s11], [sflag:$0x5], $0x80, s9, s16, $0xb8;
	[tilespmem:$0x1D000] =	vst v63  }
0x1b8: {  	_ =	swait.ge [sflag:s12], $0x4000  }
0x1b9: {  	s5 =	sld [smem:$0x7F6]  }
0x1ba: {  	[sflag:s12] =	ssyncset.done $0x0  }
0x1bb: {  	s9 =	sld [smem:$0x7F7];
	[sflag:s12] =	ssyncadd.s32 $0xFFFFC000  }
0x1bc: {  	[tilespmem:s11], [sflag:$0x1] =	stream.indirect.gather [hbm4b:s0+s14], $0x80, s5, s14, $0xb8;
	[tilespmem:$0x1D000] =	vst v63  }
0x1bd: {  	_ = 	snop  }
0x1be: {  	[tilespmem:s15], [sflag:$0x2] =	stream.indirect.gather [hbm4b:s0+s14], $0x80, s9, s14, $0xb8;
	[tilespmem:$0x1D000] =	vst v63  }
0x1bf: {  	_ =	swait.ge [sflag:s21], $0x2000  }
0x1c0: {  	[sflag:s21] =	ssyncset.done $0x0  }
0x1c1: {  	[sflag:s21] =	ssyncadd.s32 $0xFFFFE000  }
0x1c2: {  	_ =	swait.ge [sflag:s22], $0x2000  }
0x1c3: {  	s9 =	sld [smem:$0x7F8]  }
0x1c4: {  	[sflag:s22] =	ssyncset.done $0x0  }
0x1c5: {  	[sflag:s22] =	ssyncadd.s32 $0xFFFFE000  }
0x1c6: {  	[spmem:s3] =	stream.indirect.scatter.add.f32 [tilespmem:s17], [sflag:$0x5], $0x80, s9, s16, $0xb8;
	[tilespmem:$0x1D000] =	vst v63  }
0x1c7: {  	_ =	swait.ge [sflag:s12], $0x4000  }
0x1c8: {  	s5 =	sld [smem:$0x7F9]  }
0x1c9: {  	[sflag:s12] =	ssyncset.done $0x0  }
0x1ca: {  	s9 =	sld [smem:$0x7FA];
	[sflag:s12] =	ssyncadd.s32 $0xFFFFC000  }
0x1cb: {  	[tilespmem:s17], [sflag:$0x3] =	stream.indirect.gather [hbm4b:s0+s14], $0x80, s5, s14, $0xb8;
	[tilespmem:$0x1D000] =	vst v63  }
0x1cc: {  	_ = 	snop  }
0x1cd: {  	[tilespmem:s18], [sflag:$0x4] =	stream.indirect.gather [hbm4b:s0+s14], $0x80, s9, s14, $0xb8;
	[tilespmem:$0x1D000] =	vst v63  }
0x1ce: {  	_ =	swait.ge [sflag:s19], $0x2000  }
0x1cf: {  	[sflag:s19] =	ssyncset.done $0x0  }
0x1d0: {  	[sflag:s19] =	ssyncadd.s32 $0xFFFFE000  }
0x1d1: {  	_ =	swait.ge [sflag:s20], $0x2000  }
0x1d2: {  	s9 =	sld [smem:$0x7FB]  }
0x1d3: {  	[sflag:s20] =	ssyncset.done $0x0  }
0x1d4: {  	[sflag:s20] =	ssyncadd.s32 $0xFFFFE000  }
0x1d5: {  	[spmem:s3] =	stream.indirect.scatter.add.f32 [tilespmem:s11], [sflag:$0x5], $0x80, s9, s16, $0xb8;
	[tilespmem:$0x1D000] =	vst v63  }
0x1d6: {  	_ =	swait.ge [sflag:s12], $0x4000  }
0x1d7: {  	s9 =	sld [smem:$0x7FC]  }
0x1d8: {  	[sflag:s12] =	ssyncset.done $0x0  }
0x1d9: {  	[sflag:s12] =	ssyncadd.s32 $0xFFFFC000  }
0x1da: {  	[tilespmem:s11], [sflag:$0x1] =	stream.indirect.gather [hbm4b:s0+s14], $0x80, s9, s14, $0xb8;
	[tilespmem:$0x1D000] =	vst v63  }
0x1db: {  	_ = 	snop  }
0x1dc: {  	[tilespmem:s15], [sflag:$0x2] =	stream.indirect.gather [hbm4b:s0+s14], $0x80, s23, s14, $0xb8;
	[tilespmem:$0x1D000] =	vst v63  }
0x1dd: {  	_ =	swait.ge [sflag:s21], $0x2000  }
0x1de: {  	[sflag:s21] =	ssyncset.done $0x0  }
0x1df: {  	[sflag:s21] =	ssyncadd.s32 $0xFFFFE000  }
0x1e0: {  	_ =	swait.ge [sflag:s22], $0x2000  }
0x1e1: {  	[sflag:s22] =	ssyncset.done $0x0  }
0x1e2: {  	[sflag:s22] =	ssyncadd.s32 $0xFFFFE000  }
0x1e3: {  	[spmem:s3] =	stream.indirect.scatter.add.f32 [tilespmem:s17], [sflag:$0x5], $0x80, s25, s16, $0xb8;
	[tilespmem:$0x1D000] =	vst v63  }
0x1e4: {  	_ =	swait.ge [sflag:s12], $0x4000  }
0x1e5: {  	[sflag:s12] =	ssyncset.done $0x0  }
0x1e6: {  	[sflag:s12] =	ssyncadd.s32 $0xFFFFC000  }
0x1e7: {  	[tilespmem:s17], [sflag:$0x3] =	stream.indirect.gather [hbm4b:s0+s14], $0x80, s26, s14, $0xb8;
	[tilespmem:$0x1D000] =	vst v63  }
0x1e8: {  	_ = 	snop  }
0x1e9: {  	[tilespmem:s18], [sflag:$0x4] =	stream.indirect.gather [hbm4b:s0+s14], $0x80, s28, s14, $0xb8;
	[tilespmem:$0x1D000] =	vst v63  }
0x1ea: {  	_ =	swait.ge [sflag:s19], $0x2000  }
0x1eb: {  	[sflag:s19] =	ssyncset.done $0x0  }
0x1ec: {  	[sflag:s19] =	ssyncadd.s32 $0xFFFFE000  }
0x1ed: {  	_ =	swait.ge [sflag:s20], $0x2000  }
0x1ee: {  	[sflag:s20] =	ssyncset.done $0x0  }
0x1ef: {  	[sflag:s20] =	ssyncadd.s32 $0xFFFFE000  }
0x1f0: {  	[spmem:s3] =	stream.indirect.scatter.add.f32 [tilespmem:s11], [sflag:$0x5], $0x80, s29, s16, $0xb8;
	[tilespmem:$0x1D000] =	vst v63  }
0x1f1: {  	_ =	swait.ge [sflag:s12], $0x4000  }
0x1f2: {  	[sflag:s12] =	ssyncset.done $0x0  }
0x1f3: {  	[sflag:s12] =	ssyncadd.s32 $0xFFFFC000  }
0x1f4: {  	[tilespmem:s11], [sflag:$0x1] =	stream.indirect.gather [hbm4b:s0+s14], $0x80, s30, s14, $0xb8;
	[tilespmem:$0x1D000] =	vst v63  }
0x1f5: {  	_ = 	snop  }
0x1f6: {  	[tilespmem:s15], [sflag:$0x2] =	stream.indirect.gather [hbm4b:s0+s14], $0x80, s31, s14, $0xb8;
	[tilespmem:$0x1D000] =	vst v63  }
0x1f7: {  	_ =	swait.ge [sflag:s21], $0x2000  }
0x1f8: {  	[sflag:s21] =	ssyncset.done $0x0  }
0x1f9: {  	[sflag:s21] =	ssyncadd.s32 $0xFFFFE000  }
0x1fa: {  	_ =	swait.ge [sflag:s22], $0x2000  }
0x1fb: {  	[sflag:s22] =	ssyncset.done $0x0  }
0x1fc: {  	[sflag:s22] =	ssyncadd.s32 $0xFFFFE000  }
0x1fd: {  	[spmem:s3] =	stream.indirect.scatter.add.f32 [tilespmem:s17], [sflag:$0x5], $0x80, s2, s16, $0xb8;
	[tilespmem:$0x1D000] =	vst v63  }
0x1fe: {  	_ =	swait.ge [sflag:s12], $0x4000  }
0x1ff: {  	[sflag:s12] =	ssyncset.done $0x0  }
0x200: {  	[sflag:s12] =	ssyncadd.s32 $0xFFFFC000  }
0x201: {  	[tilespmem:s17], [sflag:$0x3] =	stream.indirect.gather [hbm4b:s0+s14], $0x80, s1, s14, $0xb8;
	[tilespmem:$0x1D000] =	vst v63  }
0x202: {  	_ = 	snop  }
0x203: {  	[tilespmem:s18], [sflag:$0x4] =	stream.indirect.gather [hbm4b:s0+s14], $0x80, s6, s14, $0xb8;
	[tilespmem:$0x1D000] =	vst v63  }
0x204: {  	_ =	swait.ge [sflag:s19], $0x2000  }
0x205: {  	[sflag:s19] =	ssyncset.done $0x0  }
0x206: {  	[sflag:s19] =	ssyncadd.s32 $0xFFFFE000  }
0x207: {  	_ =	swait.ge [sflag:s20], $0x2000  }
0x208: {  	[sflag:s20] =	ssyncset.done $0x0  }
0x209: {  	[sflag:s20] =	ssyncadd.s32 $0xFFFFE000  }
0x20a: {  	[spmem:s3] =	stream.indirect.scatter.add.f32 [tilespmem:s11], [sflag:$0x5], $0x80, s7, s16, $0xb8;
	[tilespmem:$0x1D000] =	vst v63  }
0x20b: {  	_ =	swait.ge [sflag:s12], $0x4000  }
0x20c: {  	[sflag:s12] =	ssyncset.done $0x0  }
0x20d: {  	[sflag:s12] =	ssyncadd.s32 $0xFFFFC000  }
0x20e: {  	_ =	swait.ge [sflag:s21], $0x2000  }
0x20f: {  	[sflag:s21] =	ssyncset.done $0x0  }
0x210: {  	[sflag:s21] =	ssyncadd.s32 $0xFFFFE000  }
0x211: {  	p0 =	sne.s32 s24, $0x400;
	_ =	swait.ge [sflag:s22], $0x2000  }
.Ltmp1:
0x212: {  	[sflag:s22] =	ssyncset.done $0x0;
	(pc) =	sbr.rel @p0 .LBB2_4-.Ltmp1, $4  }
0x213: {  	[sflag:s22] =	ssyncadd.s32 $0xFFFFE000  }
0x214: {  	[spmem:s3] =	stream.indirect.scatter.add.f32 [tilespmem:s17], [sflag:$0x5], $0x80, s8, s16, $0xb8;
	[tilespmem:$0x1D000] =	vst v63  }
0x215: {  	_ =	swait.ge [sflag:s12], $0x4000  }
0x216: {  	s24 =	sadd.s32 $0x100, s24;
	s5 =	rddreg [dreg:$0x5];
	[sflag:s12] =	ssyncset.done $0x0  }
0x217: {  	[sflag:s12] =	ssyncadd.s32 $0xFFFFC000;
	s5 =	sadd.s32 s10, s5  }
0x218: {  	[tilespmem:s4], [sflag:$0x5] =	stream.linear.gather [hbm4b:s5+s4], $0x800, $0x38;
	[tilespmem:$0x1D000] =	vst v63  }
0x219: {  	_ =	swait.ge [sflag:s12], $0x800  }
0x21a: {  	s9 =	rddreg [dreg:$0x6];
	[sflag:s12] =	ssyncset.done $0x0  }
0x21b: {  	[sflag:s12] =	ssyncadd.s32 $0xFFFFF800;
	s5 =	sadd.s32 s10, s9  }
0x21c: {  	[tilespmem:s13], [sflag:$0x5] =	stream.linear.gather [hbm4b:s5+s4], $0x800, $0x38;
	[tilespmem:$0x1D000] =	vst v63  }
0x21d: {  	_ =	swait.ge [sflag:s12], $0x800  }
0x21e: {  	[sflag:s12] =	ssyncset.done $0x0  }
0x21f: {  	[sflag:s12] =	ssyncadd.s32 $0xFFFFF800  }
0x220: {  	[tilespmem:s11], [sflag:$0x1] =	stream.indirect.gather [hbm4b:s0+s14], $0x80, s4, s14, $0xb8;
	[tilespmem:$0x1D000] =	vst v63  }
0x221: {  	_ = 	snop  }
0x222: {  	[tilespmem:s15], [sflag:$0x2] =	stream.indirect.gather [hbm4b:s0+s14], $0x80, s14, s14, $0xb8;
	[tilespmem:$0x1D000] =	vst v63  }
0x223: {  	_ = 	snop  }
0x224: {  	[tilespmem:s17], [sflag:$0x3] =	stream.indirect.gather [hbm4b:s0+s14], $0x80, s16, s14, $0xb8;
	[tilespmem:$0x1D000] =	vst v63  }
0x225: {  	s10 =	rddreg [dreg:$0x7]  }
0x226: {  	[tilespmem:s18], [sflag:$0x4] =	stream.indirect.gather [hbm4b:s0+s14], $0x80, s10, s14, $0xb8;
	[tilespmem:$0x1D000] =	vst v63  }
0x227: {  	_ =	swait.ge [sflag:s19], $0x2000  }
0x228: {  	[sflag:s19] =	ssyncset.done $0x0  }
0x229: {  	[sflag:s19] =	ssyncadd.s32 $0xFFFFE000  }
0x22a: {  	_ =	swait.ge [sflag:s20], $0x2000  }
0x22b: {  	[sflag:s20] =	ssyncset.done $0x0  }
0x22c: {  	[sflag:s20] =	ssyncadd.s32 $0xFFFFE000  }
0x22d: {  	[spmem:s3] =	stream.indirect.scatter.add.f32 [tilespmem:s11], [sflag:$0x5], $0x80, s13, s16, $0xb8;
	[tilespmem:$0x1D000] =	vst v63  }
0x22e: {  	_ =	swait.ge [sflag:s12], $0x4000  }
0x22f: {  	[sflag:s12] =	ssyncset.done $0x0  }
0x230: {  	s24 =	rddreg [dreg:$0x8];
	[sflag:s12] =	ssyncadd.s32 $0xFFFFC000  }
0x231: {  	[tilespmem:s11], [sflag:$0x1] =	stream.indirect.gather [hbm4b:s0+s14], $0x80, s24, s14, $0xb8;
	[tilespmem:$0x1D000] =	vst v63  }
0x232: {  	s9 =	rddreg [dreg:$0x9]  }
0x233: {  	[tilespmem:s15], [sflag:$0x2] =	stream.indirect.gather [hbm4b:s0+s14], $0x80, s9, s14, $0xb8;
	[tilespmem:$0x1D000] =	vst v63  }
0x234: {  	_ =	swait.ge [sflag:s21], $0x2000  }
0x235: {  	[sflag:s21] =	ssyncset.done $0x0  }
0x236: {  	[sflag:s21] =	ssyncadd.s32 $0xFFFFE000  }
0x237: {  	_ =	swait.ge [sflag:s22], $0x2000  }
0x238: {  	[sflag:s22] =	ssyncset.done $0x0  }
0x239: {  	s9 =	rddreg [dreg:$0xa];
	[sflag:s22] =	ssyncadd.s32 $0xFFFFE000  }
0x23a: {  	[spmem:s3] =	stream.indirect.scatter.add.f32 [tilespmem:s17], [sflag:$0x5], $0x80, s9, s16, $0xb8;
	[tilespmem:$0x1D000] =	vst v63  }
0x23b: {  	_ =	swait.ge [sflag:s12], $0x4000  }
0x23c: {  	[sflag:s12] =	ssyncset.done $0x0  }
0x23d: {  	s10 =	rddreg [dreg:$0xb];
	[sflag:s12] =	ssyncadd.s32 $0xFFFFC000  }
0x23e: {  	[tilespmem:s17], [sflag:$0x3] =	stream.indirect.gather [hbm4b:s0+s14], $0x80, s10, s14, $0xb8;
	[tilespmem:$0x1D000] =	vst v63  }
0x23f: {  	s24 =	rddreg [dreg:$0xc]  }
0x240: {  	[tilespmem:s18], [sflag:$0x4] =	stream.indirect.gather [hbm4b:s0+s14], $0x80, s24, s14, $0xb8;
	[tilespmem:$0x1D000] =	vst v63  }
0x241: {  	_ =	swait.ge [sflag:s19], $0x2000  }
0x242: {  	[sflag:s19] =	ssyncset.done $0x0  }
0x243: {  	[sflag:s19] =	ssyncadd.s32 $0xFFFFE000  }
0x244: {  	_ =	swait.ge [sflag:s20], $0x2000  }
0x245: {  	[sflag:s20] =	ssyncset.done $0x0  }
0x246: {  	s9 =	rddreg [dreg:$0xd];
	[sflag:s20] =	ssyncadd.s32 $0xFFFFE000  }
0x247: {  	[spmem:s3] =	stream.indirect.scatter.add.f32 [tilespmem:s11], [sflag:$0x5], $0x80, s9, s16, $0xb8;
	[tilespmem:$0x1D000] =	vst v63  }
0x248: {  	_ =	swait.ge [sflag:s12], $0x4000  }
0x249: {  	[sflag:s12] =	ssyncset.done $0x0  }
0x24a: {  	s10 =	rddreg [dreg:$0xe];
	[sflag:s12] =	ssyncadd.s32 $0xFFFFC000  }
0x24b: {  	[tilespmem:s11], [sflag:$0x1] =	stream.indirect.gather [hbm4b:s0+s14], $0x80, s10, s14, $0xb8;
	[tilespmem:$0x1D000] =	vst v63  }
0x24c: {  	s24 =	rddreg [dreg:$0xf]  }
0x24d: {  	[tilespmem:s15], [sflag:$0x2] =	stream.indirect.gather [hbm4b:s0+s14], $0x80, s24, s14, $0xb8;
	[tilespmem:$0x1D000] =	vst v63  }
0x24e: {  	_ =	swait.ge [sflag:s21], $0x2000  }
0x24f: {  	[sflag:s21] =	ssyncset.done $0x0  }
0x250: {  	[sflag:s21] =	ssyncadd.s32 $0xFFFFE000  }
0x251: {  	_ =	swait.ge [sflag:s22], $0x2000  }
0x252: {  	[sflag:s22] =	ssyncset.done $0x0  }
0x253: {  	s9 =	rddreg [dreg:$0x10];
	[sflag:s22] =	ssyncadd.s32 $0xFFFFE000  }
0x254: {  	[spmem:s3] =	stream.indirect.scatter.add.f32 [tilespmem:s17], [sflag:$0x5], $0x80, s9, s16, $0xb8;
	[tilespmem:$0x1D000] =	vst v63  }
0x255: {  	_ =	swait.ge [sflag:s12], $0x4000  }
0x256: {  	[sflag:s12] =	ssyncset.done $0x0  }
0x257: {  	s10 =	rddreg [dreg:$0x11];
	[sflag:s12] =	ssyncadd.s32 $0xFFFFC000  }
0x258: {  	[tilespmem:s17], [sflag:$0x3] =	stream.indirect.gather [hbm4b:s0+s14], $0x80, s10, s14, $0xb8;
	[tilespmem:$0x1D000] =	vst v63  }
0x259: {  	s24 =	rddreg [dreg:$0x12]  }
0x25a: {  	[tilespmem:s18], [sflag:$0x4] =	stream.indirect.gather [hbm4b:s0+s14], $0x80, s24, s14, $0xb8;
	[tilespmem:$0x1D000] =	vst v63  }
0x25b: {  	_ =	swait.ge [sflag:s19], $0x2000  }
0x25c: {  	[sflag:s19] =	ssyncset.done $0x0  }
0x25d: {  	[sflag:s19] =	ssyncadd.s32 $0xFFFFE000  }
0x25e: {  	_ =	swait.ge [sflag:s20], $0x2000  }
0x25f: {  	[sflag:s20] =	ssyncset.done $0x0  }
0x260: {  	s9 =	rddreg [dreg:$0x13];
	[sflag:s20] =	ssyncadd.s32 $0xFFFFE000  }
0x261: {  	[spmem:s3] =	stream.indirect.scatter.add.f32 [tilespmem:s11], [sflag:$0x5], $0x80, s9, s16, $0xb8;
	[tilespmem:$0x1D000] =	vst v63  }
0x262: {  	_ =	swait.ge [sflag:s12], $0x4000  }
0x263: {  	[sflag:s12] =	ssyncset.done $0x0  }
0x264: {  	s10 =	rddreg [dreg:$0x14];
	[sflag:s12] =	ssyncadd.s32 $0xFFFFC000  }
0x265: {  	[tilespmem:s11], [sflag:$0x1] =	stream.indirect.gather [hbm4b:s0+s14], $0x80, s10, s14, $0xb8;
	[tilespmem:$0x1D000] =	vst v63  }
0x266: {  	s24 =	rddreg [dreg:$0x15]  }
0x267: {  	[tilespmem:s15], [sflag:$0x2] =	stream.indirect.gather [hbm4b:s0+s14], $0x80, s24, s14, $0xb8;
	[tilespmem:$0x1D000] =	vst v63  }
0x268: {  	_ =	swait.ge [sflag:s21], $0x2000  }
0x269: {  	[sflag:s21] =	ssyncset.done $0x0  }
0x26a: {  	[sflag:s21] =	ssyncadd.s32 $0xFFFFE000  }
0x26b: {  	_ =	swait.ge [sflag:s22], $0x2000  }
0x26c: {  	[sflag:s22] =	ssyncset.done $0x0  }
0x26d: {  	s9 =	rddreg [dreg:$0x16];
	[sflag:s22] =	ssyncadd.s32 $0xFFFFE000  }
0x26e: {  	[spmem:s3] =	stream.indirect.scatter.add.f32 [tilespmem:s17], [sflag:$0x5], $0x80, s9, s16, $0xb8;
	[tilespmem:$0x1D000] =	vst v63  }
0x26f: {  	_ =	swait.ge [sflag:s12], $0x4000  }
0x270: {  	[sflag:s12] =	ssyncset.done $0x0  }
0x271: {  	s10 =	rddreg [dreg:$0x17];
	[sflag:s12] =	ssyncadd.s32 $0xFFFFC000  }
0x272: {  	[tilespmem:s17], [sflag:$0x3] =	stream.indirect.gather [hbm4b:s0+s14], $0x80, s10, s14, $0xb8;
	[tilespmem:$0x1D000] =	vst v63  }
0x273: {  	s24 =	rddreg [dreg:$0x18]  }
0x274: {  	[tilespmem:s18], [sflag:$0x4] =	stream.indirect.gather [hbm4b:s0+s14], $0x80, s24, s14, $0xb8;
	[tilespmem:$0x1D000] =	vst v63  }
0x275: {  	_ =	swait.ge [sflag:s19], $0x2000  }
0x276: {  	[sflag:s19] =	ssyncset.done $0x0  }
0x277: {  	[sflag:s19] =	ssyncadd.s32 $0xFFFFE000  }
0x278: {  	_ =	swait.ge [sflag:s20], $0x2000  }
0x279: {  	[sflag:s20] =	ssyncset.done $0x0  }
0x27a: {  	s9 =	rddreg [dreg:$0x19];
	[sflag:s20] =	ssyncadd.s32 $0xFFFFE000  }
0x27b: {  	[spmem:s3] =	stream.indirect.scatter.add.f32 [tilespmem:s11], [sflag:$0x5], $0x80, s9, s16, $0xb8;
	[tilespmem:$0x1D000] =	vst v63  }
0x27c: {  	_ =	swait.ge [sflag:s12], $0x4000  }
0x27d: {  	[sflag:s12] =	ssyncset.done $0x0  }
0x27e: {  	s10 =	rddreg [dreg:$0x1a];
	[sflag:s12] =	ssyncadd.s32 $0xFFFFC000  }
0x27f: {  	[tilespmem:s11], [sflag:$0x1] =	stream.indirect.gather [hbm4b:s0+s14], $0x80, s10, s14, $0xb8;
	[tilespmem:$0x1D000] =	vst v63  }
0x280: {  	s24 =	rddreg [dreg:$0x1b]  }
0x281: {  	[tilespmem:s15], [sflag:$0x2] =	stream.indirect.gather [hbm4b:s0+s14], $0x80, s24, s14, $0xb8;
	[tilespmem:$0x1D000] =	vst v63  }
0x282: {  	_ =	swait.ge [sflag:s21], $0x2000  }
0x283: {  	[sflag:s21] =	ssyncset.done $0x0  }
0x284: {  	[sflag:s21] =	ssyncadd.s32 $0xFFFFE000  }
0x285: {  	_ =	swait.ge [sflag:s22], $0x2000  }
0x286: {  	[sflag:s22] =	ssyncset.done $0x0  }
0x287: {  	s9 =	rddreg [dreg:$0x1c];
	[sflag:s22] =	ssyncadd.s32 $0xFFFFE000  }
0x288: {  	[spmem:s3] =	stream.indirect.scatter.add.f32 [tilespmem:s17], [sflag:$0x5], $0x80, s9, s16, $0xb8;
	[tilespmem:$0x1D000] =	vst v63  }
0x289: {  	_ =	swait.ge [sflag:s12], $0x4000  }
0x28a: {  	[sflag:s12] =	ssyncset.done $0x0  }
0x28b: {  	s10 =	rddreg [dreg:$0x1d];
	[sflag:s12] =	ssyncadd.s32 $0xFFFFC000  }
0x28c: {  	[tilespmem:s17], [sflag:$0x3] =	stream.indirect.gather [hbm4b:s0+s14], $0x80, s10, s14, $0xb8;
	[tilespmem:$0x1D000] =	vst v63  }
0x28d: {  	s24 =	rddreg [dreg:$0x1e]  }
0x28e: {  	[tilespmem:s18], [sflag:$0x4] =	stream.indirect.gather [hbm4b:s0+s14], $0x80, s24, s14, $0xb8;
	[tilespmem:$0x1D000] =	vst v63  }
0x28f: {  	_ =	swait.ge [sflag:s19], $0x2000  }
0x290: {  	[sflag:s19] =	ssyncset.done $0x0  }
0x291: {  	[sflag:s19] =	ssyncadd.s32 $0xFFFFE000  }
0x292: {  	_ =	swait.ge [sflag:s20], $0x2000  }
0x293: {  	[sflag:s20] =	ssyncset.done $0x0  }
0x294: {  	s9 =	rddreg [dreg:$0x1f];
	[sflag:s20] =	ssyncadd.s32 $0xFFFFE000  }
0x295: {  	[spmem:s3] =	stream.indirect.scatter.add.f32 [tilespmem:s11], [sflag:$0x5], $0x80, s9, s16, $0xb8;
	[tilespmem:$0x1D000] =	vst v63  }
0x296: {  	_ =	swait.ge [sflag:s12], $0x4000  }
0x297: {  	s10 =	sld [smem:$0x7F6]  }
0x298: {  	[sflag:s12] =	ssyncset.done $0x0  }
0x299: {  	s24 =	sld [smem:$0x7F7];
	[sflag:s12] =	ssyncadd.s32 $0xFFFFC000  }
0x29a: {  	[tilespmem:s11], [sflag:$0x1] =	stream.indirect.gather [hbm4b:s0+s14], $0x80, s10, s14, $0xb8;
	[tilespmem:$0x1D000] =	vst v63  }
0x29b: {  	_ = 	snop  }
0x29c: {  	[tilespmem:s15], [sflag:$0x2] =	stream.indirect.gather [hbm4b:s0+s14], $0x80, s24, s14, $0xb8;
	[tilespmem:$0x1D000] =	vst v63  }
0x29d: {  	_ =	swait.ge [sflag:s21], $0x2000  }
0x29e: {  	[sflag:s21] =	ssyncset.done $0x0  }
0x29f: {  	[sflag:s21] =	ssyncadd.s32 $0xFFFFE000  }
0x2a0: {  	_ =	swait.ge [sflag:s22], $0x2000  }
0x2a1: {  	s9 =	sld [smem:$0x7F8]  }
0x2a2: {  	[sflag:s22] =	ssyncset.done $0x0  }
0x2a3: {  	[sflag:s22] =	ssyncadd.s32 $0xFFFFE000  }
0x2a4: {  	[spmem:s3] =	stream.indirect.scatter.add.f32 [tilespmem:s17], [sflag:$0x5], $0x80, s9, s16, $0xb8;
	[tilespmem:$0x1D000] =	vst v63  }
0x2a5: {  	_ =	swait.ge [sflag:s12], $0x4000  }
0x2a6: {  	s10 =	sld [smem:$0x7F9]  }
0x2a7: {  	[sflag:s12] =	ssyncset.done $0x0  }
0x2a8: {  	s24 =	sld [smem:$0x7FA];
	[sflag:s12] =	ssyncadd.s32 $0xFFFFC000  }
0x2a9: {  	[tilespmem:s17], [sflag:$0x3] =	stream.indirect.gather [hbm4b:s0+s14], $0x80, s10, s14, $0xb8;
	[tilespmem:$0x1D000] =	vst v63  }
0x2aa: {  	_ = 	snop  }
0x2ab: {  	[tilespmem:s18], [sflag:$0x4] =	stream.indirect.gather [hbm4b:s0+s14], $0x80, s24, s14, $0xb8;
	[tilespmem:$0x1D000] =	vst v63  }
0x2ac: {  	_ =	swait.ge [sflag:s19], $0x2000  }
0x2ad: {  	[sflag:s19] =	ssyncset.done $0x0  }
0x2ae: {  	[sflag:s19] =	ssyncadd.s32 $0xFFFFE000  }
0x2af: {  	_ =	swait.ge [sflag:s20], $0x2000  }
0x2b0: {  	s10 =	sld [smem:$0x7FB]  }
0x2b1: {  	[sflag:s20] =	ssyncset.done $0x0  }
0x2b2: {  	[sflag:s20] =	ssyncadd.s32 $0xFFFFE000  }
0x2b3: {  	[spmem:s3] =	stream.indirect.scatter.add.f32 [tilespmem:s11], [sflag:$0x5], $0x80, s10, s16, $0xb8;
	[tilespmem:$0x1D000] =	vst v63  }
0x2b4: {  	_ =	swait.ge [sflag:s12], $0x4000  }
0x2b5: {  	s24 =	sld [smem:$0x7FC]  }
0x2b6: {  	[sflag:s12] =	ssyncset.done $0x0  }
0x2b7: {  	[sflag:s12] =	ssyncadd.s32 $0xFFFFC000  }
0x2b8: {  	[tilespmem:s11], [sflag:$0x1] =	stream.indirect.gather [hbm4b:s0+s14], $0x80, s24, s14, $0xb8;
	[tilespmem:$0x1D000] =	vst v63  }
0x2b9: {  	_ = 	snop  }
0x2ba: {  	[tilespmem:s15], [sflag:$0x2] =	stream.indirect.gather [hbm4b:s0+s14], $0x80, s23, s14, $0xb8;
	[tilespmem:$0x1D000] =	vst v63  }
0x2bb: {  	_ =	swait.ge [sflag:s21], $0x2000  }
0x2bc: {  	[sflag:s21] =	ssyncset.done $0x0  }
0x2bd: {  	[sflag:s21] =	ssyncadd.s32 $0xFFFFE000  }
0x2be: {  	_ =	swait.ge [sflag:s22], $0x2000  }
0x2bf: {  	[sflag:s22] =	ssyncset.done $0x0  }
0x2c0: {  	[sflag:s22] =	ssyncadd.s32 $0xFFFFE000  }
0x2c1: {  	[spmem:s3] =	stream.indirect.scatter.add.f32 [tilespmem:s17], [sflag:$0x5], $0x80, s25, s16, $0xb8;
	[tilespmem:$0x1D000] =	vst v63  }
0x2c2: {  	_ =	swait.ge [sflag:s12], $0x4000  }
0x2c3: {  	[sflag:s12] =	ssyncset.done $0x0  }
0x2c4: {  	[sflag:s12] =	ssyncadd.s32 $0xFFFFC000  }
0x2c5: {  	[tilespmem:s17], [sflag:$0x3] =	stream.indirect.gather [hbm4b:s0+s14], $0x80, s26, s14, $0xb8;
	[tilespmem:$0x1D000] =	vst v63  }
0x2c6: {  	_ = 	snop  }
0x2c7: {  	[tilespmem:s18], [sflag:$0x4] =	stream.indirect.gather [hbm4b:s0+s14], $0x80, s28, s14, $0xb8;
	[tilespmem:$0x1D000] =	vst v63  }
0x2c8: {  	_ =	swait.ge [sflag:s19], $0x2000  }
0x2c9: {  	[sflag:s19] =	ssyncset.done $0x0  }
0x2ca: {  	[sflag:s19] =	ssyncadd.s32 $0xFFFFE000  }
0x2cb: {  	_ =	swait.ge [sflag:s20], $0x2000  }
0x2cc: {  	[sflag:s20] =	ssyncset.done $0x0  }
0x2cd: {  	[sflag:s20] =	ssyncadd.s32 $0xFFFFE000  }
0x2ce: {  	[spmem:s3] =	stream.indirect.scatter.add.f32 [tilespmem:s11], [sflag:$0x5], $0x80, s29, s16, $0xb8;
	[tilespmem:$0x1D000] =	vst v63  }
0x2cf: {  	_ =	swait.ge [sflag:s12], $0x4000  }
0x2d0: {  	[sflag:s12] =	ssyncset.done $0x0  }
0x2d1: {  	[sflag:s12] =	ssyncadd.s32 $0xFFFFC000  }
0x2d2: {  	[tilespmem:s11], [sflag:$0x1] =	stream.indirect.gather [hbm4b:s0+s14], $0x80, s30, s14, $0xb8;
	[tilespmem:$0x1D000] =	vst v63  }
0x2d3: {  	_ = 	snop  }
0x2d4: {  	[tilespmem:s15], [sflag:$0x2] =	stream.indirect.gather [hbm4b:s0+s14], $0x80, s31, s14, $0xb8;
	[tilespmem:$0x1D000] =	vst v63  }
0x2d5: {  	_ =	swait.ge [sflag:s21], $0x2000  }
0x2d6: {  	[sflag:s21] =	ssyncset.done $0x0  }
0x2d7: {  	[sflag:s21] =	ssyncadd.s32 $0xFFFFE000  }
0x2d8: {  	_ =	swait.ge [sflag:s22], $0x2000  }
0x2d9: {  	[sflag:s22] =	ssyncset.done $0x0  }
0x2da: {  	[sflag:s22] =	ssyncadd.s32 $0xFFFFE000  }
0x2db: {  	[spmem:s3] =	stream.indirect.scatter.add.f32 [tilespmem:s17], [sflag:$0x5], $0x80, s2, s16, $0xb8;
	[tilespmem:$0x1D000] =	vst v63  }
0x2dc: {  	_ =	swait.ge [sflag:s12], $0x4000  }
0x2dd: {  	[sflag:s12] =	ssyncset.done $0x0  }
0x2de: {  	[sflag:s12] =	ssyncadd.s32 $0xFFFFC000  }
0x2df: {  	[tilespmem:s17], [sflag:$0x3] =	stream.indirect.gather [hbm4b:s0+s14], $0x80, s1, s14, $0xb8;
	[tilespmem:$0x1D000] =	vst v63  }
0x2e0: {  	_ = 	snop  }
0x2e1: {  	[tilespmem:s18], [sflag:$0x4] =	stream.indirect.gather [hbm4b:s0+s14], $0x80, s6, s14, $0xb8;
	[tilespmem:$0x1D000] =	vst v63  }
0x2e2: {  	_ =	swait.ge [sflag:s19], $0x2000  }
0x2e3: {  	[sflag:s19] =	ssyncset.done $0x0  }
0x2e4: {  	[sflag:s19] =	ssyncadd.s32 $0xFFFFE000  }
0x2e5: {  	_ =	swait.ge [sflag:s20], $0x2000  }
0x2e6: {  	[sflag:s20] =	ssyncset.done $0x0  }
0x2e7: {  	[sflag:s20] =	ssyncadd.s32 $0xFFFFE000  }
0x2e8: {  	[spmem:s3] =	stream.indirect.scatter.add.f32 [tilespmem:s11], [sflag:$0x5], $0x80, s7, s16, $0xb8;
	[tilespmem:$0x1D000] =	vst v63  }
0x2e9: {  	_ =	swait.ge [sflag:s12], $0x4000  }
0x2ea: {  	[sflag:s12] =	ssyncset.done $0x0  }
0x2eb: {  	[sflag:s12] =	ssyncadd.s32 $0xFFFFC000  }
0x2ec: {  	_ =	swait.ge [sflag:s21], $0x2000  }
0x2ed: {  	[sflag:s21] =	ssyncset.done $0x0  }
0x2ee: {  	[sflag:s21] =	ssyncadd.s32 $0xFFFFE000  }
0x2ef: {  	_ =	swait.ge [sflag:s22], $0x2000  }
0x2f0: {  	[sflag:s22] =	ssyncset.done $0x0  }
0x2f1: {  	[sflag:s22] =	ssyncadd.s32 $0xFFFFE000  }
0x2f2: {  	[spmem:s3] =	stream.indirect.scatter.add.f32 [tilespmem:s17], [sflag:$0x5], $0x80, s8, s16, $0xb8;
	[tilespmem:$0x1D000] =	vst v63  }
0x2f3: {  	_ =	swait.ge [sflag:s12], $0x4000  }
0x2f4: {  	[sflag:s12] =	ssyncset.done $0x0  }
0x2f5: {  	[sflag:s12] =	ssyncadd.s32 $0xFFFFC000  }
0x2f6: {  	[bflag:$0x0] =	sbarrier.arrive $0xFFFF  }
0x2f7: {  	s10 =	sld [smem:$0x7F4]  }
0x2f8: {  	s9 =	stileid.u32;
	s24 =	sld [smem:$0x7FD]  }
0x2f9: {  	s5 =	sshll.u32 s9, $0x6  }
0x2fa: {  	s5 =	sor.u32 $0x1C05, s5;
	s9 =	sshrl.u32 s10, $0x3  }
0x2fb: {  	[hbm:s24], [sflag:s5] =	dma.local [spmem:s9], $0x2800  }
0x2fc: {  	_ =	swait.ge [sflag:s12], $0x2800  }
0x2fd: {  	s10 =	sld [smem:$0x7EF]  }
0x2fe: {  	s24 =	sld [smem:$0x7F0];
	_ =	sdelay $0x1  }
0x2ff: {  	s9 =	sadd.s32 $0x1, s10  }
0x300: {  	p0 =	sne.s32 s9, s24  }
.Ltmp2:
0x301: {  	_ = 	snop;
	(pc) =	sbr.rel @p0 .LBB2_1-.Ltmp2, $3  }
0x302: {  	_ =	sdelay $0x1  }
0x303: {  	[sflag:s12] =	ssyncset.done $0x0  }
0x304: {  	[sflag:s12] =	ssyncadd.s32 $0xFFFFD800  }
0x305: {  	_ =	sfence.sel $0x180000  }
0x306: {  	[bflag:$0x0] =	sbarrier.arrive $0xFFFF  }
0x307: {  	_ =	strace $0x90000047  }
0x308: {  	s0 =	stileid.u32;
	[bflag:$0x2] =	sbarrier.arrive $0xFFFF  }
0x309: {  	p0 =	sne.s32 s0, $0x0;
	s0 =	rddreg [dreg:$0x4]  }
0x30a: {  	s0 =	sadd.s32 @!p0 $0x100000, s0  }
0x30b: {  	[sflag:s0] =	ssyncadd.tile.s32 @!p0 $0x1;
	_ =	shalt  }
.Lfunc_end2:
_tile_overlayer_lowered:
.L_overlay_start_2:
0x30c: {  	(tag) =	ssettag $0x2  }
0x30d: {  	s0 =	rddreg [dreg:$0x0];
	s2 =	stileid.u32  }
0x30e: {  	s1 =	rddreg [dreg:$0x1];
	p0 =	sne.s32 s2, $0x0  }
0x30f: {  	s3 =	rddreg [dreg:$0x2];
	[bflag:$0x3] =	sbarrier.arrive $0xFFFF;
	s2 =	simm.s32 @!p0 $0x1C05  }
0x310: {  	[timem:s3], [sflag:s2] =	dma.local @!p0 [hbm:s0], s1  }
0x311: {  	s0 =	simm.s32 @!p0 $0x5  }
0x312: {  	_ =	swait.ge @!p0 [sflag:s0], s1  }
0x313: {  	s1 =	ssub.s32 @!p0 $0x0, s1;
	[sflag:s0] =	ssyncset.done @!p0 $0x0  }
0x314: {  	[sflag:s0] =	ssyncadd.s32 @!p0 s1  }
0x315: {  	[bflag:$0x3] =	sbarrier.arrive $0xFFFF  }
0x316: {  	_ =	shalt  }

</sc_bundles>
